<compile_context>
chip_gen: v7x
topology: tpu7x:2x2x1
jax: 0.10.2.dev20260603
libtpu: 0.0.44.dev20260713+nightly
codegen_flags: <defaults>
</compile_context>

<pallas_src>
import functools
import math

import jax
import jax.numpy as jnp
from jax import lax
from jax.experimental import pallas as pl
from jax.experimental.pallas import tpu as pltpu
from jax.experimental.pallas import tpu_sc as plsc

_N = 16384
_K = 128
_DW = 16
_NC = 2
_NS = 16
_NW = _NC * _NS
_CHUNK = _N // _NW

_BLK = 2048
_NB = _N // _BLK
_LT = _BLK // 128
_QV = float(math.atanh(0.5) ** 2 + 1.0)
_EPS_D = 1e-9

_sc_mesh = plsc.VectorSubcoreMesh(core_axis_name="c", subcore_axis_name="s")


@functools.partial(
    pl.kernel,
    mesh=_sc_mesh,
    out_type=jax.ShapeDtypeStruct((_NW, _K, _DW), jnp.float32),
    scratch_types=[
        pltpu.VMEM((_CHUNK, _DW), jnp.float32),
        pltpu.VMEM((_K, _DW), jnp.float32),
        pltpu.VMEM((_CHUNK,), jnp.int32),
    ],
)
def _segsum_sc(data_hbm, tidx_hbm, out_hbm, stage_v, tab, tvm):
    cid = lax.axis_index("c")
    sid = lax.axis_index("s")
    wid = sid * _NC + cid

    pltpu.sync_copy(data_hbm.at[wid], stage_v)
    pltpu.sync_copy(tidx_hbm.at[wid], tvm)
    z = jnp.zeros((_DW,), jnp.float32)
    for k in range(_K):
        tab[k, :] = z

    def _accum(g, carry):
        base = g * 16
        tv = tvm[pl.ds(base, 16)]
        for l in range(16):
            t = tv[l]
            plsc.addupdate(tab.at[t], stage_v[base + l, :])
        return carry

    lax.fori_loop(0, _CHUNK // 16, _accum, 0)
    pltpu.sync_copy(tab, out_hbm.at[wid])


def _tc_body(coords_t_ref, tidx_ref, segtab_ref, out_ref, bmat_ref, acc_ref):
    b = pl.program_id(0)

    @pl.when(b == 0)
    def _xk():
        acc_ref[...] = jnp.zeros_like(acc_ref)
        seg = segtab_ref[0]
        for w in range(1, _NW):
            seg = seg + segtab_ref[w]
        cnt = seg[:, 3:4]
        den = _QV / (_QV * cnt + 1e-9)
        xk = seg[:, 0:3] * den
        ck2e = (jnp.sum(xk * xk, axis=1, keepdims=True) + _EPS_D
                + jnp.where(cnt > 0.0, 0.0, 1e6))
        bmat_ref[...] = jnp.concatenate(
            [-2.0 * xk, jnp.ones((_K, 3), jnp.float32), ck2e,
             jnp.zeros((_K, 1), jnp.float32)], axis=1)

    t = tidx_ref[...]
    kio = jax.lax.broadcasted_iota(jnp.int32, (_K, _BLK), 0)
    mask = kio == t

    ct = coords_t_ref[...]
    a7 = jnp.concatenate(
        [ct, ct * ct, jnp.ones((1, _BLK), jnp.float32)], axis=0)
    d2e = jax.lax.dot_general(
        bmat_ref[:, 0:7], a7, (((1,), (0,)), ((), ())),
        preferred_element_type=jnp.float32)
    d2c = jnp.maximum(d2e, _EPS_D)
    dist = d2c * jax.lax.rsqrt(d2c)
    rep = jnp.maximum(0.0, 1.0 - dist)
    contrib = jnp.where(mask, d2c, rep)
    s = contrib[:, 0:128]
    for i in range(1, _LT):
        s = s + contrib[:, i * 128:(i + 1) * 128]
    acc_ref[...] += s

    @pl.when(b == _NB - 1)
    def _fin():
        out_ref[0, 0] = (_QV * _QV / (2.0 * _N)) * jnp.sum(acc_ref[...])


def kernel(coords, truth_indices, row_splits):
    del row_splits
    tidx = truth_indices.astype(jnp.int32)
    data = jnp.concatenate(
        [coords, jnp.ones((_N, 1), jnp.float32),
         jnp.zeros((_N, _DW - 4), jnp.float32)],
        axis=1).reshape(_NW, _CHUNK, _DW)
    tidx_sc = tidx.reshape(_NW, _CHUNK)
    segtab = _segsum_sc(data, tidx_sc)

    coords_t = coords.T
    tidx_t = tidx.reshape(1, _N)
    out = pl.pallas_call(
        _tc_body,
        grid=(_NB,),
        in_specs=[
            pl.BlockSpec((3, _BLK), lambda b: (0, b)),
            pl.BlockSpec((1, _BLK), lambda b: (0, b)),
            pl.BlockSpec((_NW, _K, _DW), lambda b: (0, 0, 0)),
        ],
        out_specs=pl.BlockSpec((1, 1), lambda b: (0, 0), memory_space=pltpu.SMEM),
        out_shape=jax.ShapeDtypeStruct((1, 1), jnp.float32),
        scratch_shapes=[
            pltpu.VMEM((_K, 8), jnp.float32),
            pltpu.VMEM((_K, 128), jnp.float32),
        ],
    )(coords_t, tidx_t, segtab)
    return out[0, 0]

# --- scband reference (transcript-rebuilt; emitter-appended) ---
"""Pipeline reference for scband-llcluster-coordinates-35768487641756 (READ-ONLY COPY).

The authoritative reference and input builder live on the scoring server;
editing this copy changes nothing except your own understanding.
"""

import jax, jax.numpy as jnp
import numpy as np

N = 16384
K = 128
D = 3
Q_MIN = 1.0
REPULSION_CONTRIB = 0.5
SCALE = 1.0


def setup_inputs(seed: int = 0) -> dict:
    key = jax.random.key(seed)
    k1, k2 = jax.random.split(key)
    coords = jax.random.normal(k1, (N, D), dtype=jnp.float32)
    truth_indices = jax.random.randint(k2, (N, 1), 0, K).astype(jnp.int64)
    # single event: row_splits = [0, N]
    row_splits = jnp.array([0, N], dtype=jnp.int32)
    return {"coords": coords, "truth_indices": truth_indices, "row_splits": row_splits}


def _oc_potentials(coords, beta, tidx, use_average_cc_pos=True):
    # coords: [N, D] float, beta: [N, 1] float, tidx: [N, 1] int (>=0 object id, -1 noise)
    tidx = tidx[:, 0]
    beta_v = jnp.clip(beta[:, 0], 0.0, 1.0 - 1e-4)
    q = jnp.arctanh(beta_v) ** 2 + Q_MIN  # charge per vertex
    not_noise = (tidx >= 0)
    # object association one-hot mask [N, K] (noise rows are all-zero)
    M = jax.nn.one_hot(jnp.where(not_noise, tidx, K), K + 1, dtype=jnp.float32)[:, :K]
    obj_present = (jnp.sum(M, axis=0) > 0.0).astype(jnp.float32)  # [K]
    # condensation point per object: vertex with max beta
    beta_masked = M * beta_v[:, None]
    alpha_idx = jnp.argmax(beta_masked, axis=0)  # [K]
    q_alpha = jnp.take(q, alpha_idx)  # [K]
    if use_average_cc_pos:
        w = M * q[:, None]  # [N, K]
        x_k = (w.T @ coords) / (jnp.sum(w, axis=0)[:, None] + 1e-9)  # [K, D]
    else:
        x_k = jnp.take(coords, alpha_idx, axis=0)
    diff = coords[:, None, :] - x_k[None, :, :]  # [N, K, D]
    dist2 = jnp.sum(diff * diff, axis=-1)  # [N, K]
    dist = jnp.sqrt(dist2 + 1e-9)
    n_f = jnp.asarray(N, jnp.float32)
    qq = q[:, None] * q_alpha[None, :] * obj_present[None, :]  # [N, K]
    V_att = jnp.sum(M * dist2 * qq) / n_f
    V_rep = jnp.sum((1.0 - M) * jnp.maximum(0.0, 1.0 - dist) * qq) / n_f
    return V_att, V_rep


def reference(coords, truth_indices, row_splits):
    # LLClusterCoordinates with 3 inputs: beta_like = 0.5 everywhere, use_avg_cc=True
    zeros = jnp.zeros_like(coords[:, 0:1])
    beta_like = zeros + 0.5
    V_att, V_rep = _oc_potentials(coords, beta_like, truth_indices, use_average_cc_pos=True)
    att = (1.0 - REPULSION_CONTRIB) * V_att
    rep = REPULSION_CONTRIB * V_rep
    lossval = SCALE * (att + rep)
    return lossval

if __name__ == "__main__":
    import jax
    _d = setup_inputs()
    print(jax.jit(kernel)(*tuple(_d.values())))

</pallas_src>

<mosaic_0001>
#map = affine_map<(d0, d1) -> (0, 0, 0)>
#map1 = affine_map<(d0, d1) -> (0, 0)>
module attributes {stable_mosaic.version = 14 : i64} {
  func.func @_segsum_sc(%arg0: i32, %arg1: i32, %arg2: memref<32x512x16xf32, #tpu.memory_space<hbm>>, %arg3: memref<32x512xi32, #tpu.memory_space<hbm>>, %arg4: memref<32x128x16xf32, #tpu.memory_space<hbm>>, %arg5: memref<512x16xf32, #tpu.memory_space<vmem>>, %arg6: memref<128x16xf32, #tpu.memory_space<vmem>>, %arg7: memref<512xi32, #tpu.memory_space<vmem>>) attributes {dimension_semantics = [#tpu.dimension_semantics<core_parallel>, #tpu.dimension_semantics<subcore_parallel>], iteration_bounds = array<i64: 2, 16>, scalar_prefetch = 0 : i64, scratch_operands = 3 : i64, tpu.core_type = #tpu.core_type<sc_vector_subcore>, window_params = [{transform_indices = #map}, {transform_indices = #map1}, {transform_indices = #map}]} {
    %mul3A = arith.constant 2 : i32
    %mul3A_0 = arith.muli %arg1, %mul3A : i32
    %add3A = arith.addi %mul3A_0, %arg0 : i32
    "tpu.region"() ({
      %run_scoped3A = tpu.sem_alloc : memref<!tpu.dma_semaphore, #tpu.memory_space<semaphore_mem>>
      %dma_start3A = arith.constant 0 : i32
      %dma_start3A_774 = arith.constant 0 : i32
      %dma_start3A_775 = tpu.memref_slice %arg2[%add3A, %dma_start3A, %dma_start3A_774] : memref<32x512x16xf32, #tpu.memory_space<hbm>> -> memref<1x512x16xf32, #tpu.memory_space<hbm>>
      %dma_start3A_776 = tpu.memref_squeeze %dma_start3A_775 : memref<1x512x16xf32, #tpu.memory_space<hbm>> -> memref<512x16xf32, #tpu.memory_space<hbm>>
      %dma_start3A_777 = arith.constant 0 : i32
      %dma_start3A_778 = arith.constant 0 : i32
      %dma_start3A_779 = tpu.memref_slice %arg2[%add3A, %dma_start3A_777, %dma_start3A_778] : memref<32x512x16xf32, #tpu.memory_space<hbm>> -> memref<1x512x16xf32, #tpu.memory_space<hbm>>
      %dma_start3A_780 = tpu.memref_squeeze %dma_start3A_779 : memref<1x512x16xf32, #tpu.memory_space<hbm>> -> memref<512x16xf32, #tpu.memory_space<hbm>>
      tpu.enqueue_dma source(%dma_start3A_780 : memref<512x16xf32, #tpu.memory_space<hbm>>) target(%arg5 : memref<512x16xf32, #tpu.memory_space<vmem>>) target_semaphore(%run_scoped3A : memref<!tpu.dma_semaphore, #tpu.memory_space<semaphore_mem>>)
      %dma_wait3A = arith.constant 0 : i32
      %dma_wait3A_781 = arith.constant 0 : i32
      %dma_wait3A_782 = tpu.memref_slice %arg2[%add3A, %dma_wait3A, %dma_wait3A_781] : memref<32x512x16xf32, #tpu.memory_space<hbm>> -> memref<1x512x16xf32, #tpu.memory_space<hbm>>
      %dma_wait3A_783 = tpu.memref_squeeze %dma_wait3A_782 : memref<1x512x16xf32, #tpu.memory_space<hbm>> -> memref<512x16xf32, #tpu.memory_space<hbm>>
      %dma_wait3A_784 = arith.constant 0 : i32
      %dma_wait3A_785 = arith.constant 0 : i32
      %dma_wait3A_786 = tpu.memref_slice %arg2[%add3A, %dma_wait3A_784, %dma_wait3A_785] : memref<32x512x16xf32, #tpu.memory_space<hbm>> -> memref<1x512x16xf32, #tpu.memory_space<hbm>>
      %dma_wait3A_787 = tpu.memref_squeeze %dma_wait3A_786 : memref<1x512x16xf32, #tpu.memory_space<hbm>> -> memref<512x16xf32, #tpu.memory_space<hbm>>
      tpu.wait_dma2 semaphore(%run_scoped3A : memref<!tpu.dma_semaphore, #tpu.memory_space<semaphore_mem>>) src(%dma_wait3A_787 : memref<512x16xf32, #tpu.memory_space<hbm>>) dst(%arg5 : memref<512x16xf32, #tpu.memory_space<vmem>>)
      tpu.yield
    }) : () -> ()
    "tpu.region"() ({
      %run_scoped3A = tpu.sem_alloc : memref<!tpu.dma_semaphore, #tpu.memory_space<semaphore_mem>>
      %dma_start3A = arith.constant 0 : i32
      %dma_start3A_774 = tpu.memref_slice %arg3[%add3A, %dma_start3A] : memref<32x512xi32, #tpu.memory_space<hbm>> -> memref<1x512xi32, #tpu.memory_space<hbm>>
      %dma_start3A_775 = tpu.memref_squeeze %dma_start3A_774 : memref<1x512xi32, #tpu.memory_space<hbm>> -> memref<512xi32, #tpu.memory_space<hbm>>
      %dma_start3A_776 = arith.constant 0 : i32
      %dma_start3A_777 = tpu.memref_slice %arg3[%add3A, %dma_start3A_776] : memref<32x512xi32, #tpu.memory_space<hbm>> -> memref<1x512xi32, #tpu.memory_space<hbm>>
      %dma_start3A_778 = tpu.memref_squeeze %dma_start3A_777 : memref<1x512xi32, #tpu.memory_space<hbm>> -> memref<512xi32, #tpu.memory_space<hbm>>
      tpu.enqueue_dma source(%dma_start3A_778 : memref<512xi32, #tpu.memory_space<hbm>>) target(%arg7 : memref<512xi32, #tpu.memory_space<vmem>>) target_semaphore(%run_scoped3A : memref<!tpu.dma_semaphore, #tpu.memory_space<semaphore_mem>>)
      %dma_wait3A = arith.constant 0 : i32
      %dma_wait3A_779 = tpu.memref_slice %arg3[%add3A, %dma_wait3A] : memref<32x512xi32, #tpu.memory_space<hbm>> -> memref<1x512xi32, #tpu.memory_space<hbm>>
      %dma_wait3A_780 = tpu.memref_squeeze %dma_wait3A_779 : memref<1x512xi32, #tpu.memory_space<hbm>> -> memref<512xi32, #tpu.memory_space<hbm>>
      %dma_wait3A_781 = arith.constant 0 : i32
      %dma_wait3A_782 = tpu.memref_slice %arg3[%add3A, %dma_wait3A_781] : memref<32x512xi32, #tpu.memory_space<hbm>> -> memref<1x512xi32, #tpu.memory_space<hbm>>
      %dma_wait3A_783 = tpu.memref_squeeze %dma_wait3A_782 : memref<1x512xi32, #tpu.memory_space<hbm>> -> memref<512xi32, #tpu.memory_space<hbm>>
      tpu.wait_dma2 semaphore(%run_scoped3A : memref<!tpu.dma_semaphore, #tpu.memory_space<semaphore_mem>>) src(%dma_wait3A_783 : memref<512xi32, #tpu.memory_space<hbm>>) dst(%arg7 : memref<512xi32, #tpu.memory_space<vmem>>)
      tpu.yield
    }) : () -> ()
    %broadcast_in_dim3A = arith.constant 0.000000e+00 : f32
    %broadcast_in_dim3A_1 = vector.broadcast %broadcast_in_dim3A : f32 to vector<16xf32>
    %swap3A = arith.constant 0 : i32
    %swap3A_2 = arith.index_cast %swap3A : i32 to index
    %swap3A_3 = arith.constant 0 : index
    %swap3A_4 = tpu.vector_load %arg6[%swap3A_2, %swap3A_3] {strides = array<i32>} : memref<128x16xf32, #tpu.memory_space<vmem>>, vector<1x16xf32>,
    %swap3A_5 = vector.shape_cast %swap3A_4 : vector<1x16xf32> to vector<16xf32>
    %swap3A_6 = vector.shape_cast %broadcast_in_dim3A_1 : vector<16xf32> to vector<1x16xf32>
    tpu.vector_store %arg6[%swap3A_2, %swap3A_3], %swap3A_6 {strides = array<i32>} : memref<128x16xf32, #tpu.memory_space<vmem>>, vector<1x16xf32>,
    %swap3A_7 = arith.constant 1 : i32
    %swap3A_8 = arith.index_cast %swap3A_7 : i32 to index
    %swap3A_9 = arith.constant 0 : index
    %swap3A_10 = tpu.vector_load %arg6[%swap3A_8, %swap3A_9] {strides = array<i32>} : memref<128x16xf32, #tpu.memory_space<vmem>>, vector<1x16xf32>,
    %swap3A_11 = vector.shape_cast %swap3A_10 : vector<1x16xf32> to vector<16xf32>
    %swap3A_12 = vector.shape_cast %broadcast_in_dim3A_1 : vector<16xf32> to vector<1x16xf32>
    tpu.vector_store %arg6[%swap3A_8, %swap3A_9], %swap3A_12 {strides = array<i32>} : memref<128x16xf32, #tpu.memory_space<vmem>>, vector<1x16xf32>,
    %swap3A_13 = arith.constant 2 : i32
    %swap3A_14 = arith.index_cast %swap3A_13 : i32 to index
    %swap3A_15 = arith.constant 0 : index
    %swap3A_16 = tpu.vector_load %arg6[%swap3A_14, %swap3A_15] {strides = array<i32>} : memref<128x16xf32, #tpu.memory_space<vmem>>, vector<1x16xf32>,
    %swap3A_17 = vector.shape_cast %swap3A_16 : vector<1x16xf32> to vector<16xf32>
    %swap3A_18 = vector.shape_cast %broadcast_in_dim3A_1 : vector<16xf32> to vector<1x16xf32>
    tpu.vector_store %arg6[%swap3A_14, %swap3A_15], %swap3A_18 {strides = array<i32>} : memref<128x16xf32, #tpu.memory_space<vmem>>, vector<1x16xf32>,
    %swap3A_19 = arith.constant 3 : i32
    %swap3A_20 = arith.index_cast %swap3A_19 : i32 to index
    %swap3A_21 = arith.constant 0 : index
    %swap3A_22 = tpu.vector_load %arg6[%swap3A_20, %swap3A_21] {strides = array<i32>} : memref<128x16xf32, #tpu.memory_space<vmem>>, vector<1x16xf32>,
    %swap3A_23 = vector.shape_cast %swap3A_22 : vector<1x16xf32> to vector<16xf32>
    %swap3A_24 = vector.shape_cast %broadcast_in_dim3A_1 : vector<16xf32> to vector<1x16xf32>
    tpu.vector_store %arg6[%swap3A_20, %swap3A_21], %swap3A_24 {strides = array<i32>} : memref<128x16xf32, #tpu.memory_space<vmem>>, vector<1x16xf32>,
    %swap3A_25 = arith.constant 4 : i32
    %swap3A_26 = arith.index_cast %swap3A_25 : i32 to index
    %swap3A_27 = arith.constant 0 : index
    %swap3A_28 = tpu.vector_load %arg6[%swap3A_26, %swap3A_27] {strides = array<i32>} : memref<128x16xf32, #tpu.memory_space<vmem>>, vector<1x16xf32>,
    %swap3A_29 = vector.shape_cast %swap3A_28 : vector<1x16xf32> to vector<16xf32>
    %swap3A_30 = vector.shape_cast %broadcast_in_dim3A_1 : vector<16xf32> to vector<1x16xf32>
    tpu.vector_store %arg6[%swap3A_26, %swap3A_27], %swap3A_30 {strides = array<i32>} : memref<128x16xf32, #tpu.memory_space<vmem>>, vector<1x16xf32>,
    %swap3A_31 = arith.constant 5 : i32
    %swap3A_32 = arith.index_cast %swap3A_31 : i32 to index
    %swap3A_33 = arith.constant 0 : index
    %swap3A_34 = tpu.vector_load %arg6[%swap3A_32, %swap3A_33] {strides = array<i32>} : memref<128x16xf32, #tpu.memory_space<vmem>>, vector<1x16xf32>,
    %swap3A_35 = vector.shape_cast %swap3A_34 : vector<1x16xf32> to vector<16xf32>
    %swap3A_36 = vector.shape_cast %broadcast_in_dim3A_1 : vector<16xf32> to vector<1x16xf32>
    tpu.vector_store %arg6[%swap3A_32, %swap3A_33], %swap3A_36 {strides = array<i32>} : memref<128x16xf32, #tpu.memory_space<vmem>>, vector<1x16xf32>,
    %swap3A_37 = arith.constant 6 : i32
    %swap3A_38 = arith.index_cast %swap3A_37 : i32 to index
    %swap3A_39 = arith.constant 0 : index
    %swap3A_40 = tpu.vector_load %arg6[%swap3A_38, %swap3A_39] {strides = array<i32>} : memref<128x16xf32, #tpu.memory_space<vmem>>, vector<1x16xf32>,
    %swap3A_41 = vector.shape_cast %swap3A_40 : vector<1x16xf32> to vector<16xf32>
    %swap3A_42 = vector.shape_cast %broadcast_in_dim3A_1 : vector<16xf32> to vector<1x16xf32>
    tpu.vector_store %arg6[%swap3A_38, %swap3A_39], %swap3A_42 {strides = array<i32>} : memref<128x16xf32, #tpu.memory_space<vmem>>, vector<1x16xf32>,
    %swap3A_43 = arith.constant 7 : i32
    %swap3A_44 = arith.index_cast %swap3A_43 : i32 to index
    %swap3A_45 = arith.constant 0 : index
    %swap3A_46 = tpu.vector_load %arg6[%swap3A_44, %swap3A_45] {strides = array<i32>} : memref<128x16xf32, #tpu.memory_space<vmem>>, vector<1x16xf32>,
    %swap3A_47 = vector.shape_cast %swap3A_46 : vector<1x16xf32> to vector<16xf32>
    %swap3A_48 = vector.shape_cast %broadcast_in_dim3A_1 : vector<16xf32> to vector<1x16xf32>
    tpu.vector_store %arg6[%swap3A_44, %swap3A_45], %swap3A_48 {strides = array<i32>} : memref<128x16xf32, #tpu.memory_space<vmem>>, vector<1x16xf32>,
    %swap3A_49 = arith.constant 8 : i32
    %swap3A_50 = arith.index_cast %swap3A_49 : i32 to index
    %swap3A_51 = arith.constant 0 : index
    %swap3A_52 = tpu.vector_load %arg6[%swap3A_50, %swap3A_51] {strides = array<i32>} : memref<128x16xf32, #tpu.memory_space<vmem>>, vector<1x16xf32>,
    %swap3A_53 = vector.shape_cast %swap3A_52 : vector<1x16xf32> to vector<16xf32>
    %swap3A_54 = vector.shape_cast %broadcast_in_dim3A_1 : vector<16xf32> to vector<1x16xf32>
    tpu.vector_store %arg6[%swap3A_50, %swap3A_51], %swap3A_54 {strides = array<i32>} : memref<128x16xf32, #tpu.memory_space<vmem>>, vector<1x16xf32>,
    %swap3A_55 = arith.constant 9 : i32
    %swap3A_56 = arith.index_cast %swap3A_55 : i32 to index
    %swap3A_57 = arith.constant 0 : index
    %swap3A_58 = tpu.vector_load %arg6[%swap3A_56, %swap3A_57] {strides = array<i32>} : memref<128x16xf32, #tpu.memory_space<vmem>>, vector<1x16xf32>,
    %swap3A_59 = vector.shape_cast %swap3A_58 : vector<1x16xf32> to vector<16xf32>
    %swap3A_60 = vector.shape_cast %broadcast_in_dim3A_1 : vector<16xf32> to vector<1x16xf32>
    tpu.vector_store %arg6[%swap3A_56, %swap3A_57], %swap3A_60 {strides = array<i32>} : memref<128x16xf32, #tpu.memory_space<vmem>>, vector<1x16xf32>,
    %swap3A_61 = arith.constant 10 : i32
    %swap3A_62 = arith.index_cast %swap3A_61 : i32 to index
    %swap3A_63 = arith.constant 0 : index
    %swap3A_64 = tpu.vector_load %arg6[%swap3A_62, %swap3A_63] {strides = array<i32>} : memref<128x16xf32, #tpu.memory_space<vmem>>, vector<1x16xf32>,
    %swap3A_65 = vector.shape_cast %swap3A_64 : vector<1x16xf32> to vector<16xf32>
    %swap3A_66 = vector.shape_cast %broadcast_in_dim3A_1 : vector<16xf32> to vector<1x16xf32>
    tpu.vector_store %arg6[%swap3A_62, %swap3A_63], %swap3A_66 {strides = array<i32>} : memref<128x16xf32, #tpu.memory_space<vmem>>, vector<1x16xf32>,
    %swap3A_67 = arith.constant 11 : i32
    %swap3A_68 = arith.index_cast %swap3A_67 : i32 to index
    %swap3A_69 = arith.constant 0 : index
    %swap3A_70 = tpu.vector_load %arg6[%swap3A_68, %swap3A_69] {strides = array<i32>} : memref<128x16xf32, #tpu.memory_space<vmem>>, vector<1x16xf32>,
    %swap3A_71 = vector.shape_cast %swap3A_70 : vector<1x16xf32> to vector<16xf32>
    %swap3A_72 = vector.shape_cast %broadcast_in_dim3A_1 : vector<16xf32> to vector<1x16xf32>
    tpu.vector_store %arg6[%swap3A_68, %swap3A_69], %swap3A_72 {strides = array<i32>} : memref<128x16xf32, #tpu.memory_space<vmem>>, vector<1x16xf32>,
    %swap3A_73 = arith.constant 12 : i32
    %swap3A_74 = arith.index_cast %swap3A_73 : i32 to index
    %swap3A_75 = arith.constant 0 : index
    %swap3A_76 = tpu.vector_load %arg6[%swap3A_74, %swap3A_75] {strides = array<i32>} : memref<128x16xf32, #tpu.memory_space<vmem>>, vector<1x16xf32>,
    %swap3A_77 = vector.shape_cast %swap3A_76 : vector<1x16xf32> to vector<16xf32>
    %swap3A_78 = vector.shape_cast %broadcast_in_dim3A_1 : vector<16xf32> to vector<1x16xf32>
    tpu.vector_store %arg6[%swap3A_74, %swap3A_75], %swap3A_78 {strides = array<i32>} : memref<128x16xf32, #tpu.memory_space<vmem>>, vector<1x16xf32>,
    %swap3A_79 = arith.constant 13 : i32
    %swap3A_80 = arith.index_cast %swap3A_79 : i32 to index
    %swap3A_81 = arith.constant 0 : index
    %swap3A_82 = tpu.vector_load %arg6[%swap3A_80, %swap3A_81] {strides = array<i32>} : memref<128x16xf32, #tpu.memory_space<vmem>>, vector<1x16xf32>,
    %swap3A_83 = vector.shape_cast %swap3A_82 : vector<1x16xf32> to vector<16xf32>
    %swap3A_84 = vector.shape_cast %broadcast_in_dim3A_1 : vector<16xf32> to vector<1x16xf32>
    tpu.vector_store %arg6[%swap3A_80, %swap3A_81], %swap3A_84 {strides = array<i32>} : memref<128x16xf32, #tpu.memory_space<vmem>>, vector<1x16xf32>,
    %swap3A_85 = arith.constant 14 : i32
    %swap3A_86 = arith.index_cast %swap3A_85 : i32 to index
    %swap3A_87 = arith.constant 0 : index
    %swap3A_88 = tpu.vector_load %arg6[%swap3A_86, %swap3A_87] {strides = array<i32>} : memref<128x16xf32, #tpu.memory_space<vmem>>, vector<1x16xf32>,
    %swap3A_89 = vector.shape_cast %swap3A_88 : vector<1x16xf32> to vector<16xf32>
    %swap3A_90 = vector.shape_cast %broadcast_in_dim3A_1 : vector<16xf32> to vector<1x16xf32>
    tpu.vector_store %arg6[%swap3A_86, %swap3A_87], %swap3A_90 {strides = array<i32>} : memref<128x16xf32, #tpu.memory_space<vmem>>, vector<1x16xf32>,
    %swap3A_91 = arith.constant 15 : i32
    %swap3A_92 = arith.index_cast %swap3A_91 : i32 to index
    %swap3A_93 = arith.constant 0 : index
    %swap3A_94 = tpu.vector_load %arg6[%swap3A_92, %swap3A_93] {strides = array<i32>} : memref<128x16xf32, #tpu.memory_space<vmem>>, vector<1x16xf32>,
    %swap3A_95 = vector.shape_cast %swap3A_94 : vector<1x16xf32> to vector<16xf32>
    %swap3A_96 = vector.shape_cast %broadcast_in_dim3A_1 : vector<16xf32> to vector<1x16xf32>
    tpu.vector_store %arg6[%swap3A_92, %swap3A_93], %swap3A_96 {strides = array<i32>} : memref<128x16xf32, #tpu.memory_space<vmem>>, vector<1x16xf32>,
    %swap3A_97 = arith.constant 16 : i32
    %swap3A_98 = arith.index_cast %swap3A_97 : i32 to index
    %swap3A_99 = arith.constant 0 : index
    %swap3A_100 = tpu.vector_load %arg6[%swap3A_98, %swap3A_99] {strides = array<i32>} : memref<128x16xf32, #tpu.memory_space<vmem>>, vector<1x16xf32>,
    %swap3A_101 = vector.shape_cast %swap3A_100 : vector<1x16xf32> to vector<16xf32>
    %swap3A_102 = vector.shape_cast %broadcast_in_dim3A_1 : vector<16xf32> to vector<1x16xf32>
    tpu.vector_store %arg6[%swap3A_98, %swap3A_99], %swap3A_102 {strides = array<i32>} : memref<128x16xf32, #tpu.memory_space<vmem>>, vector<1x16xf32>,
    %swap3A_103 = arith.constant 17 : i32
    %swap3A_104 = arith.index_cast %swap3A_103 : i32 to index
    %swap3A_105 = arith.constant 0 : index
    %swap3A_106 = tpu.vector_load %arg6[%swap3A_104, %swap3A_105] {strides = array<i32>} : memref<128x16xf32, #tpu.memory_space<vmem>>, vector<1x16xf32>,
    %swap3A_107 = vector.shape_cast %swap3A_106 : vector<1x16xf32> to vector<16xf32>
    %swap3A_108 = vector.shape_cast %broadcast_in_dim3A_1 : vector<16xf32> to vector<1x16xf32>
    tpu.vector_store %arg6[%swap3A_104, %swap3A_105], %swap3A_108 {strides = array<i32>} : memref<128x16xf32, #tpu.memory_space<vmem>>, vector<1x16xf32>,
    %swap3A_109 = arith.constant 18 : i32
    %swap3A_110 = arith.index_cast %swap3A_109 : i32 to index
    %swap3A_111 = arith.constant 0 : index
    %swap3A_112 = tpu.vector_load %arg6[%swap3A_110, %swap3A_111] {strides = array<i32>} : memref<128x16xf32, #tpu.memory_space<vmem>>, vector<1x16xf32>,
    %swap3A_113 = vector.shape_cast %swap3A_112 : vector<1x16xf32> to vector<16xf32>
    %swap3A_114 = vector.shape_cast %broadcast_in_dim3A_1 : vector<16xf32> to vector<1x16xf32>
    tpu.vector_store %arg6[%swap3A_110, %swap3A_111], %swap3A_114 {strides = array<i32>} : memref<128x16xf32, #tpu.memory_space<vmem>>, vector<1x16xf32>,
    %swap3A_115 = arith.constant 19 : i32
    %swap3A_116 = arith.index_cast %swap3A_115 : i32 to index
    %swap3A_117 = arith.constant 0 : index
    %swap3A_118 = tpu.vector_load %arg6[%swap3A_116, %swap3A_117] {strides = array<i32>} : memref<128x16xf32, #tpu.memory_space<vmem>>, vector<1x16xf32>,
    %swap3A_119 = vector.shape_cast %swap3A_118 : vector<1x16xf32> to vector<16xf32>
    %swap3A_120 = vector.shape_cast %broadcast_in_dim3A_1 : vector<16xf32> to vector<1x16xf32>
    tpu.vector_store %arg6[%swap3A_116, %swap3A_117], %swap3A_120 {strides = array<i32>} : memref<128x16xf32, #tpu.memory_space<vmem>>, vector<1x16xf32>,
    %swap3A_121 = arith.constant 20 : i32
    %swap3A_122 = arith.index_cast %swap3A_121 : i32 to index
    %swap3A_123 = arith.constant 0 : index
    %swap3A_124 = tpu.vector_load %arg6[%swap3A_122, %swap3A_123] {strides = array<i32>} : memref<128x16xf32, #tpu.memory_space<vmem>>, vector<1x16xf32>,
    %swap3A_125 = vector.shape_cast %swap3A_124 : vector<1x16xf32> to vector<16xf32>
    %swap3A_126 = vector.shape_cast %broadcast_in_dim3A_1 : vector<16xf32> to vector<1x16xf32>
    tpu.vector_store %arg6[%swap3A_122, %swap3A_123], %swap3A_126 {strides = array<i32>} : memref<128x16xf32, #tpu.memory_space<vmem>>, vector<1x16xf32>,
    %swap3A_127 = arith.constant 21 : i32
    %swap3A_128 = arith.index_cast %swap3A_127 : i32 to index
    %swap3A_129 = arith.constant 0 : index
    %swap3A_130 = tpu.vector_load %arg6[%swap3A_128, %swap3A_129] {strides = array<i32>} : memref<128x16xf32, #tpu.memory_space<vmem>>, vector<1x16xf32>,
    %swap3A_131 = vector.shape_cast %swap3A_130 : vector<1x16xf32> to vector<16xf32>
    %swap3A_132 = vector.shape_cast %broadcast_in_dim3A_1 : vector<16xf32> to vector<1x16xf32>
    tpu.vector_store %arg6[%swap3A_128, %swap3A_129], %swap3A_132 {strides = array<i32>} : memref<128x16xf32, #tpu.memory_space<vmem>>, vector<1x16xf32>,
    %swap3A_133 = arith.constant 22 : i32
    %swap3A_134 = arith.index_cast %swap3A_133 : i32 to index
    %swap3A_135 = arith.constant 0 : index
    %swap3A_136 = tpu.vector_load %arg6[%swap3A_134, %swap3A_135] {strides = array<i32>} : memref<128x16xf32, #tpu.memory_space<vmem>>, vector<1x16xf32>,
    %swap3A_137 = vector.shape_cast %swap3A_136 : vector<1x16xf32> to vector<16xf32>
    %swap3A_138 = vector.shape_cast %broadcast_in_dim3A_1 : vector<16xf32> to vector<1x16xf32>
    tpu.vector_store %arg6[%swap3A_134, %swap3A_135], %swap3A_138 {strides = array<i32>} : memref<128x16xf32, #tpu.memory_space<vmem>>, vector<1x16xf32>,
    %swap3A_139 = arith.constant 23 : i32
    %swap3A_140 = arith.index_cast %swap3A_139 : i32 to index
    %swap3A_141 = arith.constant 0 : index
    %swap3A_142 = tpu.vector_load %arg6[%swap3A_140, %swap3A_141] {strides = array<i32>} : memref<128x16xf32, #tpu.memory_space<vmem>>, vector<1x16xf32>,
    %swap3A_143 = vector.shape_cast %swap3A_142 : vector<1x16xf32> to vector<16xf32>
    %swap3A_144 = vector.shape_cast %broadcast_in_dim3A_1 : vector<16xf32> to vector<1x16xf32>
    tpu.vector_store %arg6[%swap3A_140, %swap3A_141], %swap3A_144 {strides = array<i32>} : memref<128x16xf32, #tpu.memory_space<vmem>>, vector<1x16xf32>,
    %swap3A_145 = arith.constant 24 : i32
    %swap3A_146 = arith.index_cast %swap3A_145 : i32 to index
    %swap3A_147 = arith.constant 0 : index
    %swap3A_148 = tpu.vector_load %arg6[%swap3A_146, %swap3A_147] {strides = array<i32>} : memref<128x16xf32, #tpu.memory_space<vmem>>, vector<1x16xf32>,
    %swap3A_149 = vector.shape_cast %swap3A_148 : vector<1x16xf32> to vector<16xf32>
    %swap3A_150 = vector.shape_cast %broadcast_in_dim3A_1 : vector<16xf32> to vector<1x16xf32>
    tpu.vector_store %arg6[%swap3A_146, %swap3A_147], %swap3A_150 {strides = array<i32>} : memref<128x16xf32, #tpu.memory_space<vmem>>, vector<1x16xf32>,
    %swap3A_151 = arith.constant 25 : i32
    %swap3A_152 = arith.index_cast %swap3A_151 : i32 to index
    %swap3A_153 = arith.constant 0 : index
    %swap3A_154 = tpu.vector_load %arg6[%swap3A_152, %swap3A_153] {strides = array<i32>} : memref<128x16xf32, #tpu.memory_space<vmem>>, vector<1x16xf32>,
    %swap3A_155 = vector.shape_cast %swap3A_154 : vector<1x16xf32> to vector<16xf32>
    %swap3A_156 = vector.shape_cast %broadcast_in_dim3A_1 : vector<16xf32> to vector<1x16xf32>
    tpu.vector_store %arg6[%swap3A_152, %swap3A_153], %swap3A_156 {strides = array<i32>} : memref<128x16xf32, #tpu.memory_space<vmem>>, vector<1x16xf32>,
    %swap3A_157 = arith.constant 26 : i32
    %swap3A_158 = arith.index_cast %swap3A_157 : i32 to index
    %swap3A_159 = arith.constant 0 : index
    %swap3A_160 = tpu.vector_load %arg6[%swap3A_158, %swap3A_159] {strides = array<i32>} : memref<128x16xf32, #tpu.memory_space<vmem>>, vector<1x16xf32>,
    %swap3A_161 = vector.shape_cast %swap3A_160 : vector<1x16xf32> to vector<16xf32>
    %swap3A_162 = vector.shape_cast %broadcast_in_dim3A_1 : vector<16xf32> to vector<1x16xf32>
    tpu.vector_store %arg6[%swap3A_158, %swap3A_159], %swap3A_162 {strides = array<i32>} : memref<128x16xf32, #tpu.memory_space<vmem>>, vector<1x16xf32>,
    %swap3A_163 = arith.constant 27 : i32
    %swap3A_164 = arith.index_cast %swap3A_163 : i32 to index
    %swap3A_165 = arith.constant 0 : index
    %swap3A_166 = tpu.vector_load %arg6[%swap3A_164, %swap3A_165] {strides = array<i32>} : memref<128x16xf32, #tpu.memory_space<vmem>>, vector<1x16xf32>,
    %swap3A_167 = vector.shape_cast %swap3A_166 : vector<1x16xf32> to vector<16xf32>
    %swap3A_168 = vector.shape_cast %broadcast_in_dim3A_1 : vector<16xf32> to vector<1x16xf32>
    tpu.vector_store %arg6[%swap3A_164, %swap3A_165], %swap3A_168 {strides = array<i32>} : memref<128x16xf32, #tpu.memory_space<vmem>>, vector<1x16xf32>,
    %swap3A_169 = arith.constant 28 : i32
    %swap3A_170 = arith.index_cast %swap3A_169 : i32 to index
    %swap3A_171 = arith.constant 0 : index
    %swap3A_172 = tpu.vector_load %arg6[%swap3A_170, %swap3A_171] {strides = array<i32>} : memref<128x16xf32, #tpu.memory_space<vmem>>, vector<1x16xf32>,
    %swap3A_173 = vector.shape_cast %swap3A_172 : vector<1x16xf32> to vector<16xf32>
    %swap3A_174 = vector.shape_cast %broadcast_in_dim3A_1 : vector<16xf32> to vector<1x16xf32>
    tpu.vector_store %arg6[%swap3A_170, %swap3A_171], %swap3A_174 {strides = array<i32>} : memref<128x16xf32, #tpu.memory_space<vmem>>, vector<1x16xf32>,
    %swap3A_175 = arith.constant 29 : i32
    %swap3A_176 = arith.index_cast %swap3A_175 : i32 to index
    %swap3A_177 = arith.constant 0 : index
    %swap3A_178 = tpu.vector_load %arg6[%swap3A_176, %swap3A_177] {strides = array<i32>} : memref<128x16xf32, #tpu.memory_space<vmem>>, vector<1x16xf32>,
    %swap3A_179 = vector.shape_cast %swap3A_178 : vector<1x16xf32> to vector<16xf32>
    %swap3A_180 = vector.shape_cast %broadcast_in_dim3A_1 : vector<16xf32> to vector<1x16xf32>
    tpu.vector_store %arg6[%swap3A_176, %swap3A_177], %swap3A_180 {strides = array<i32>} : memref<128x16xf32, #tpu.memory_space<vmem>>, vector<1x16xf32>,
    %swap3A_181 = arith.constant 30 : i32
    %swap3A_182 = arith.index_cast %swap3A_181 : i32 to index
    %swap3A_183 = arith.constant 0 : index
    %swap3A_184 = tpu.vector_load %arg6[%swap3A_182, %swap3A_183] {strides = array<i32>} : memref<128x16xf32, #tpu.memory_space<vmem>>, vector<1x16xf32>,
    %swap3A_185 = vector.shape_cast %swap3A_184 : vector<1x16xf32> to vector<16xf32>
    %swap3A_186 = vector.shape_cast %broadcast_in_dim3A_1 : vector<16xf32> to vector<1x16xf32>
    tpu.vector_store %arg6[%swap3A_182, %swap3A_183], %swap3A_186 {strides = array<i32>} : memref<128x16xf32, #tpu.memory_space<vmem>>, vector<1x16xf32>,
    %swap3A_187 = arith.constant 31 : i32
    %swap3A_188 = arith.index_cast %swap3A_187 : i32 to index
    %swap3A_189 = arith.constant 0 : index
    %swap3A_190 = tpu.vector_load %arg6[%swap3A_188, %swap3A_189] {strides = array<i32>} : memref<128x16xf32, #tpu.memory_space<vmem>>, vector<1x16xf32>,
    %swap3A_191 = vector.shape_cast %swap3A_190 : vector<1x16xf32> to vector<16xf32>
    %swap3A_192 = vector.shape_cast %broadcast_in_dim3A_1 : vector<16xf32> to vector<1x16xf32>
    tpu.vector_store %arg6[%swap3A_188, %swap3A_189], %swap3A_192 {strides = array<i32>} : memref<128x16xf32, #tpu.memory_space<vmem>>, vector<1x16xf32>,
    %swap3A_193 = arith.constant 32 : i32
    %swap3A_194 = arith.index_cast %swap3A_193 : i32 to index
    %swap3A_195 = arith.constant 0 : index
    %swap3A_196 = tpu.vector_load %arg6[%swap3A_194, %swap3A_195] {strides = array<i32>} : memref<128x16xf32, #tpu.memory_space<vmem>>, vector<1x16xf32>,
    %swap3A_197 = vector.shape_cast %swap3A_196 : vector<1x16xf32> to vector<16xf32>
    %swap3A_198 = vector.shape_cast %broadcast_in_dim3A_1 : vector<16xf32> to vector<1x16xf32>
    tpu.vector_store %arg6[%swap3A_194, %swap3A_195], %swap3A_198 {strides = array<i32>} : memref<128x16xf32, #tpu.memory_space<vmem>>, vector<1x16xf32>,
    %swap3A_199 = arith.constant 33 : i32
    %swap3A_200 = arith.index_cast %swap3A_199 : i32 to index
    %swap3A_201 = arith.constant 0 : index
    %swap3A_202 = tpu.vector_load %arg6[%swap3A_200, %swap3A_201] {strides = array<i32>} : memref<128x16xf32, #tpu.memory_space<vmem>>, vector<1x16xf32>,
    %swap3A_203 = vector.shape_cast %swap3A_202 : vector<1x16xf32> to vector<16xf32>
    %swap3A_204 = vector.shape_cast %broadcast_in_dim3A_1 : vector<16xf32> to vector<1x16xf32>
    tpu.vector_store %arg6[%swap3A_200, %swap3A_201], %swap3A_204 {strides = array<i32>} : memref<128x16xf32, #tpu.memory_space<vmem>>, vector<1x16xf32>,
    %swap3A_205 = arith.constant 34 : i32
    %swap3A_206 = arith.index_cast %swap3A_205 : i32 to index
    %swap3A_207 = arith.constant 0 : index
    %swap3A_208 = tpu.vector_load %arg6[%swap3A_206, %swap3A_207] {strides = array<i32>} : memref<128x16xf32, #tpu.memory_space<vmem>>, vector<1x16xf32>,
    %swap3A_209 = vector.shape_cast %swap3A_208 : vector<1x16xf32> to vector<16xf32>
    %swap3A_210 = vector.shape_cast %broadcast_in_dim3A_1 : vector<16xf32> to vector<1x16xf32>
    tpu.vector_store %arg6[%swap3A_206, %swap3A_207], %swap3A_210 {strides = array<i32>} : memref<128x16xf32, #tpu.memory_space<vmem>>, vector<1x16xf32>,
    %swap3A_211 = arith.constant 35 : i32
    %swap3A_212 = arith.index_cast %swap3A_211 : i32 to index
    %swap3A_213 = arith.constant 0 : index
    %swap3A_214 = tpu.vector_load %arg6[%swap3A_212, %swap3A_213] {strides = array<i32>} : memref<128x16xf32, #tpu.memory_space<vmem>>, vector<1x16xf32>,
    %swap3A_215 = vector.shape_cast %swap3A_214 : vector<1x16xf32> to vector<16xf32>
    %swap3A_216 = vector.shape_cast %broadcast_in_dim3A_1 : vector<16xf32> to vector<1x16xf32>
    tpu.vector_store %arg6[%swap3A_212, %swap3A_213], %swap3A_216 {strides = array<i32>} : memref<128x16xf32, #tpu.memory_space<vmem>>, vector<1x16xf32>,
    %swap3A_217 = arith.constant 36 : i32
    %swap3A_218 = arith.index_cast %swap3A_217 : i32 to index
    %swap3A_219 = arith.constant 0 : index
    %swap3A_220 = tpu.vector_load %arg6[%swap3A_218, %swap3A_219] {strides = array<i32>} : memref<128x16xf32, #tpu.memory_space<vmem>>, vector<1x16xf32>,
    %swap3A_221 = vector.shape_cast %swap3A_220 : vector<1x16xf32> to vector<16xf32>
    %swap3A_222 = vector.shape_cast %broadcast_in_dim3A_1 : vector<16xf32> to vector<1x16xf32>
    tpu.vector_store %arg6[%swap3A_218, %swap3A_219], %swap3A_222 {strides = array<i32>} : memref<128x16xf32, #tpu.memory_space<vmem>>, vector<1x16xf32>,
    %swap3A_223 = arith.constant 37 : i32
    %swap3A_224 = arith.index_cast %swap3A_223 : i32 to index
    %swap3A_225 = arith.constant 0 : index
    %swap3A_226 = tpu.vector_load %arg6[%swap3A_224, %swap3A_225] {strides = array<i32>} : memref<128x16xf32, #tpu.memory_space<vmem>>, vector<1x16xf32>,
    %swap3A_227 = vector.shape_cast %swap3A_226 : vector<1x16xf32> to vector<16xf32>
    %swap3A_228 = vector.shape_cast %broadcast_in_dim3A_1 : vector<16xf32> to vector<1x16xf32>
    tpu.vector_store %arg6[%swap3A_224, %swap3A_225], %swap3A_228 {strides = array<i32>} : memref<128x16xf32, #tpu.memory_space<vmem>>, vector<1x16xf32>,
    %swap3A_229 = arith.constant 38 : i32
    %swap3A_230 = arith.index_cast %swap3A_229 : i32 to index
    %swap3A_231 = arith.constant 0 : index
    %swap3A_232 = tpu.vector_load %arg6[%swap3A_230, %swap3A_231] {strides = array<i32>} : memref<128x16xf32, #tpu.memory_space<vmem>>, vector<1x16xf32>,
    %swap3A_233 = vector.shape_cast %swap3A_232 : vector<1x16xf32> to vector<16xf32>
    %swap3A_234 = vector.shape_cast %broadcast_in_dim3A_1 : vector<16xf32> to vector<1x16xf32>
    tpu.vector_store %arg6[%swap3A_230, %swap3A_231], %swap3A_234 {strides = array<i32>} : memref<128x16xf32, #tpu.memory_space<vmem>>, vector<1x16xf32>,
    %swap3A_235 = arith.constant 39 : i32
    %swap3A_236 = arith.index_cast %swap3A_235 : i32 to index
    %swap3A_237 = arith.constant 0 : index
    %swap3A_238 = tpu.vector_load %arg6[%swap3A_236, %swap3A_237] {strides = array<i32>} : memref<128x16xf32, #tpu.memory_space<vmem>>, vector<1x16xf32>,
    %swap3A_239 = vector.shape_cast %swap3A_238 : vector<1x16xf32> to vector<16xf32>
    %swap3A_240 = vector.shape_cast %broadcast_in_dim3A_1 : vector<16xf32> to vector<1x16xf32>
    tpu.vector_store %arg6[%swap3A_236, %swap3A_237], %swap3A_240 {strides = array<i32>} : memref<128x16xf32, #tpu.memory_space<vmem>>, vector<1x16xf32>,
    %swap3A_241 = arith.constant 40 : i32
    %swap3A_242 = arith.index_cast %swap3A_241 : i32 to index
    %swap3A_243 = arith.constant 0 : index
    %swap3A_244 = tpu.vector_load %arg6[%swap3A_242, %swap3A_243] {strides = array<i32>} : memref<128x16xf32, #tpu.memory_space<vmem>>, vector<1x16xf32>,
    %swap3A_245 = vector.shape_cast %swap3A_244 : vector<1x16xf32> to vector<16xf32>
    %swap3A_246 = vector.shape_cast %broadcast_in_dim3A_1 : vector<16xf32> to vector<1x16xf32>
    tpu.vector_store %arg6[%swap3A_242, %swap3A_243], %swap3A_246 {strides = array<i32>} : memref<128x16xf32, #tpu.memory_space<vmem>>, vector<1x16xf32>,
    %swap3A_247 = arith.constant 41 : i32
    %swap3A_248 = arith.index_cast %swap3A_247 : i32 to index
    %swap3A_249 = arith.constant 0 : index
    %swap3A_250 = tpu.vector_load %arg6[%swap3A_248, %swap3A_249] {strides = array<i32>} : memref<128x16xf32, #tpu.memory_space<vmem>>, vector<1x16xf32>,
    %swap3A_251 = vector.shape_cast %swap3A_250 : vector<1x16xf32> to vector<16xf32>
    %swap3A_252 = vector.shape_cast %broadcast_in_dim3A_1 : vector<16xf32> to vector<1x16xf32>
    tpu.vector_store %arg6[%swap3A_248, %swap3A_249], %swap3A_252 {strides = array<i32>} : memref<128x16xf32, #tpu.memory_space<vmem>>, vector<1x16xf32>,
    %swap3A_253 = arith.constant 42 : i32
    %swap3A_254 = arith.index_cast %swap3A_253 : i32 to index
    %swap3A_255 = arith.constant 0 : index
    %swap3A_256 = tpu.vector_load %arg6[%swap3A_254, %swap3A_255] {strides = array<i32>} : memref<128x16xf32, #tpu.memory_space<vmem>>, vector<1x16xf32>,
    %swap3A_257 = vector.shape_cast %swap3A_256 : vector<1x16xf32> to vector<16xf32>
    %swap3A_258 = vector.shape_cast %broadcast_in_dim3A_1 : vector<16xf32> to vector<1x16xf32>
    tpu.vector_store %arg6[%swap3A_254, %swap3A_255], %swap3A_258 {strides = array<i32>} : memref<128x16xf32, #tpu.memory_space<vmem>>, vector<1x16xf32>,
    %swap3A_259 = arith.constant 43 : i32
    %swap3A_260 = arith.index_cast %swap3A_259 : i32 to index
    %swap3A_261 = arith.constant 0 : index
    %swap3A_262 = tpu.vector_load %arg6[%swap3A_260, %swap3A_261] {strides = array<i32>} : memref<128x16xf32, #tpu.memory_space<vmem>>, vector<1x16xf32>,
    %swap3A_263 = vector.shape_cast %swap3A_262 : vector<1x16xf32> to vector<16xf32>
    %swap3A_264 = vector.shape_cast %broadcast_in_dim3A_1 : vector<16xf32> to vector<1x16xf32>
    tpu.vector_store %arg6[%swap3A_260, %swap3A_261], %swap3A_264 {strides = array<i32>} : memref<128x16xf32, #tpu.memory_space<vmem>>, vector<1x16xf32>,
    %swap3A_265 = arith.constant 44 : i32
    %swap3A_266 = arith.index_cast %swap3A_265 : i32 to index
    %swap3A_267 = arith.constant 0 : index
    %swap3A_268 = tpu.vector_load %arg6[%swap3A_266, %swap3A_267] {strides = array<i32>} : memref<128x16xf32, #tpu.memory_space<vmem>>, vector<1x16xf32>,
    %swap3A_269 = vector.shape_cast %swap3A_268 : vector<1x16xf32> to vector<16xf32>
    %swap3A_270 = vector.shape_cast %broadcast_in_dim3A_1 : vector<16xf32> to vector<1x16xf32>
    tpu.vector_store %arg6[%swap3A_266, %swap3A_267], %swap3A_270 {strides = array<i32>} : memref<128x16xf32, #tpu.memory_space<vmem>>, vector<1x16xf32>,
    %swap3A_271 = arith.constant 45 : i32
    %swap3A_272 = arith.index_cast %swap3A_271 : i32 to index
    %swap3A_273 = arith.constant 0 : index
    %swap3A_274 = tpu.vector_load %arg6[%swap3A_272, %swap3A_273] {strides = array<i32>} : memref<128x16xf32, #tpu.memory_space<vmem>>, vector<1x16xf32>,
    %swap3A_275 = vector.shape_cast %swap3A_274 : vector<1x16xf32> to vector<16xf32>
    %swap3A_276 = vector.shape_cast %broadcast_in_dim3A_1 : vector<16xf32> to vector<1x16xf32>
    tpu.vector_store %arg6[%swap3A_272, %swap3A_273], %swap3A_276 {strides = array<i32>} : memref<128x16xf32, #tpu.memory_space<vmem>>, vector<1x16xf32>,
    %swap3A_277 = arith.constant 46 : i32
    %swap3A_278 = arith.index_cast %swap3A_277 : i32 to index
    %swap3A_279 = arith.constant 0 : index
    %swap3A_280 = tpu.vector_load %arg6[%swap3A_278, %swap3A_279] {strides = array<i32>} : memref<128x16xf32, #tpu.memory_space<vmem>>, vector<1x16xf32>,
    %swap3A_281 = vector.shape_cast %swap3A_280 : vector<1x16xf32> to vector<16xf32>
    %swap3A_282 = vector.shape_cast %broadcast_in_dim3A_1 : vector<16xf32> to vector<1x16xf32>
    tpu.vector_store %arg6[%swap3A_278, %swap3A_279], %swap3A_282 {strides = array<i32>} : memref<128x16xf32, #tpu.memory_space<vmem>>, vector<1x16xf32>,
    %swap3A_283 = arith.constant 47 : i32
    %swap3A_284 = arith.index_cast %swap3A_283 : i32 to index
    %swap3A_285 = arith.constant 0 : index
    %swap3A_286 = tpu.vector_load %arg6[%swap3A_284, %swap3A_285] {strides = array<i32>} : memref<128x16xf32, #tpu.memory_space<vmem>>, vector<1x16xf32>,
    %swap3A_287 = vector.shape_cast %swap3A_286 : vector<1x16xf32> to vector<16xf32>
    %swap3A_288 = vector.shape_cast %broadcast_in_dim3A_1 : vector<16xf32> to vector<1x16xf32>
    tpu.vector_store %arg6[%swap3A_284, %swap3A_285], %swap3A_288 {strides = array<i32>} : memref<128x16xf32, #tpu.memory_space<vmem>>, vector<1x16xf32>,
    %swap3A_289 = arith.constant 48 : i32
    %swap3A_290 = arith.index_cast %swap3A_289 : i32 to index
    %swap3A_291 = arith.constant 0 : index
    %swap3A_292 = tpu.vector_load %arg6[%swap3A_290, %swap3A_291] {strides = array<i32>} : memref<128x16xf32, #tpu.memory_space<vmem>>, vector<1x16xf32>,
    %swap3A_293 = vector.shape_cast %swap3A_292 : vector<1x16xf32> to vector<16xf32>
    %swap3A_294 = vector.shape_cast %broadcast_in_dim3A_1 : vector<16xf32> to vector<1x16xf32>
    tpu.vector_store %arg6[%swap3A_290, %swap3A_291], %swap3A_294 {strides = array<i32>} : memref<128x16xf32, #tpu.memory_space<vmem>>, vector<1x16xf32>,
    %swap3A_295 = arith.constant 49 : i32
    %swap3A_296 = arith.index_cast %swap3A_295 : i32 to index
    %swap3A_297 = arith.constant 0 : index
    %swap3A_298 = tpu.vector_load %arg6[%swap3A_296, %swap3A_297] {strides = array<i32>} : memref<128x16xf32, #tpu.memory_space<vmem>>, vector<1x16xf32>,
    %swap3A_299 = vector.shape_cast %swap3A_298 : vector<1x16xf32> to vector<16xf32>
    %swap3A_300 = vector.shape_cast %broadcast_in_dim3A_1 : vector<16xf32> to vector<1x16xf32>
    tpu.vector_store %arg6[%swap3A_296, %swap3A_297], %swap3A_300 {strides = array<i32>} : memref<128x16xf32, #tpu.memory_space<vmem>>, vector<1x16xf32>,
    %swap3A_301 = arith.constant 50 : i32
    %swap3A_302 = arith.index_cast %swap3A_301 : i32 to index
    %swap3A_303 = arith.constant 0 : index
    %swap3A_304 = tpu.vector_load %arg6[%swap3A_302, %swap3A_303] {strides = array<i32>} : memref<128x16xf32, #tpu.memory_space<vmem>>, vector<1x16xf32>,
    %swap3A_305 = vector.shape_cast %swap3A_304 : vector<1x16xf32> to vector<16xf32>
    %swap3A_306 = vector.shape_cast %broadcast_in_dim3A_1 : vector<16xf32> to vector<1x16xf32>
    tpu.vector_store %arg6[%swap3A_302, %swap3A_303], %swap3A_306 {strides = array<i32>} : memref<128x16xf32, #tpu.memory_space<vmem>>, vector<1x16xf32>,
    %swap3A_307 = arith.constant 51 : i32
    %swap3A_308 = arith.index_cast %swap3A_307 : i32 to index
    %swap3A_309 = arith.constant 0 : index
    %swap3A_310 = tpu.vector_load %arg6[%swap3A_308, %swap3A_309] {strides = array<i32>} : memref<128x16xf32, #tpu.memory_space<vmem>>, vector<1x16xf32>,
    %swap3A_311 = vector.shape_cast %swap3A_310 : vector<1x16xf32> to vector<16xf32>
    %swap3A_312 = vector.shape_cast %broadcast_in_dim3A_1 : vector<16xf32> to vector<1x16xf32>
    tpu.vector_store %arg6[%swap3A_308, %swap3A_309], %swap3A_312 {strides = array<i32>} : memref<128x16xf32, #tpu.memory_space<vmem>>, vector<1x16xf32>,
    %swap3A_313 = arith.constant 52 : i32
    %swap3A_314 = arith.index_cast %swap3A_313 : i32 to index
    %swap3A_315 = arith.constant 0 : index
    %swap3A_316 = tpu.vector_load %arg6[%swap3A_314, %swap3A_315] {strides = array<i32>} : memref<128x16xf32, #tpu.memory_space<vmem>>, vector<1x16xf32>,
    %swap3A_317 = vector.shape_cast %swap3A_316 : vector<1x16xf32> to vector<16xf32>
    %swap3A_318 = vector.shape_cast %broadcast_in_dim3A_1 : vector<16xf32> to vector<1x16xf32>
    tpu.vector_store %arg6[%swap3A_314, %swap3A_315], %swap3A_318 {strides = array<i32>} : memref<128x16xf32, #tpu.memory_space<vmem>>, vector<1x16xf32>,
    %swap3A_319 = arith.constant 53 : i32
    %swap3A_320 = arith.index_cast %swap3A_319 : i32 to index
    %swap3A_321 = arith.constant 0 : index
    %swap3A_322 = tpu.vector_load %arg6[%swap3A_320, %swap3A_321] {strides = array<i32>} : memref<128x16xf32, #tpu.memory_space<vmem>>, vector<1x16xf32>,
    %swap3A_323 = vector.shape_cast %swap3A_322 : vector<1x16xf32> to vector<16xf32>
    %swap3A_324 = vector.shape_cast %broadcast_in_dim3A_1 : vector<16xf32> to vector<1x16xf32>
    tpu.vector_store %arg6[%swap3A_320, %swap3A_321], %swap3A_324 {strides = array<i32>} : memref<128x16xf32, #tpu.memory_space<vmem>>, vector<1x16xf32>,
    %swap3A_325 = arith.constant 54 : i32
    %swap3A_326 = arith.index_cast %swap3A_325 : i32 to index
    %swap3A_327 = arith.constant 0 : index
    %swap3A_328 = tpu.vector_load %arg6[%swap3A_326, %swap3A_327] {strides = array<i32>} : memref<128x16xf32, #tpu.memory_space<vmem>>, vector<1x16xf32>,
    %swap3A_329 = vector.shape_cast %swap3A_328 : vector<1x16xf32> to vector<16xf32>
    %swap3A_330 = vector.shape_cast %broadcast_in_dim3A_1 : vector<16xf32> to vector<1x16xf32>
    tpu.vector_store %arg6[%swap3A_326, %swap3A_327], %swap3A_330 {strides = array<i32>} : memref<128x16xf32, #tpu.memory_space<vmem>>, vector<1x16xf32>,
    %swap3A_331 = arith.constant 55 : i32
    %swap3A_332 = arith.index_cast %swap3A_331 : i32 to index
    %swap3A_333 = arith.constant 0 : index
    %swap3A_334 = tpu.vector_load %arg6[%swap3A_332, %swap3A_333] {strides = array<i32>} : memref<128x16xf32, #tpu.memory_space<vmem>>, vector<1x16xf32>,
    %swap3A_335 = vector.shape_cast %swap3A_334 : vector<1x16xf32> to vector<16xf32>
    %swap3A_336 = vector.shape_cast %broadcast_in_dim3A_1 : vector<16xf32> to vector<1x16xf32>
    tpu.vector_store %arg6[%swap3A_332, %swap3A_333], %swap3A_336 {strides = array<i32>} : memref<128x16xf32, #tpu.memory_space<vmem>>, vector<1x16xf32>,
    %swap3A_337 = arith.constant 56 : i32
    %swap3A_338 = arith.index_cast %swap3A_337 : i32 to index
    %swap3A_339 = arith.constant 0 : index
    %swap3A_340 = tpu.vector_load %arg6[%swap3A_338, %swap3A_339] {strides = array<i32>} : memref<128x16xf32, #tpu.memory_space<vmem>>, vector<1x16xf32>,
    %swap3A_341 = vector.shape_cast %swap3A_340 : vector<1x16xf32> to vector<16xf32>
    %swap3A_342 = vector.shape_cast %broadcast_in_dim3A_1 : vector<16xf32> to vector<1x16xf32>
    tpu.vector_store %arg6[%swap3A_338, %swap3A_339], %swap3A_342 {strides = array<i32>} : memref<128x16xf32, #tpu.memory_space<vmem>>, vector<1x16xf32>,
    %swap3A_343 = arith.constant 57 : i32
    %swap3A_344 = arith.index_cast %swap3A_343 : i32 to index
    %swap3A_345 = arith.constant 0 : index
    %swap3A_346 = tpu.vector_load %arg6[%swap3A_344, %swap3A_345] {strides = array<i32>} : memref<128x16xf32, #tpu.memory_space<vmem>>, vector<1x16xf32>,
    %swap3A_347 = vector.shape_cast %swap3A_346 : vector<1x16xf32> to vector<16xf32>
    %swap3A_348 = vector.shape_cast %broadcast_in_dim3A_1 : vector<16xf32> to vector<1x16xf32>
    tpu.vector_store %arg6[%swap3A_344, %swap3A_345], %swap3A_348 {strides = array<i32>} : memref<128x16xf32, #tpu.memory_space<vmem>>, vector<1x16xf32>,
    %swap3A_349 = arith.constant 58 : i32
    %swap3A_350 = arith.index_cast %swap3A_349 : i32 to index
    %swap3A_351 = arith.constant 0 : index
    %swap3A_352 = tpu.vector_load %arg6[%swap3A_350, %swap3A_351] {strides = array<i32>} : memref<128x16xf32, #tpu.memory_space<vmem>>, vector<1x16xf32>,
    %swap3A_353 = vector.shape_cast %swap3A_352 : vector<1x16xf32> to vector<16xf32>
    %swap3A_354 = vector.shape_cast %broadcast_in_dim3A_1 : vector<16xf32> to vector<1x16xf32>
    tpu.vector_store %arg6[%swap3A_350, %swap3A_351], %swap3A_354 {strides = array<i32>} : memref<128x16xf32, #tpu.memory_space<vmem>>, vector<1x16xf32>,
    %swap3A_355 = arith.constant 59 : i32
    %swap3A_356 = arith.index_cast %swap3A_355 : i32 to index
    %swap3A_357 = arith.constant 0 : index
    %swap3A_358 = tpu.vector_load %arg6[%swap3A_356, %swap3A_357] {strides = array<i32>} : memref<128x16xf32, #tpu.memory_space<vmem>>, vector<1x16xf32>,
    %swap3A_359 = vector.shape_cast %swap3A_358 : vector<1x16xf32> to vector<16xf32>
    %swap3A_360 = vector.shape_cast %broadcast_in_dim3A_1 : vector<16xf32> to vector<1x16xf32>
    tpu.vector_store %arg6[%swap3A_356, %swap3A_357], %swap3A_360 {strides = array<i32>} : memref<128x16xf32, #tpu.memory_space<vmem>>, vector<1x16xf32>,
    %swap3A_361 = arith.constant 60 : i32
    %swap3A_362 = arith.index_cast %swap3A_361 : i32 to index
    %swap3A_363 = arith.constant 0 : index
    %swap3A_364 = tpu.vector_load %arg6[%swap3A_362, %swap3A_363] {strides = array<i32>} : memref<128x16xf32, #tpu.memory_space<vmem>>, vector<1x16xf32>,
    %swap3A_365 = vector.shape_cast %swap3A_364 : vector<1x16xf32> to vector<16xf32>
    %swap3A_366 = vector.shape_cast %broadcast_in_dim3A_1 : vector<16xf32> to vector<1x16xf32>
    tpu.vector_store %arg6[%swap3A_362, %swap3A_363], %swap3A_366 {strides = array<i32>} : memref<128x16xf32, #tpu.memory_space<vmem>>, vector<1x16xf32>,
    %swap3A_367 = arith.constant 61 : i32
    %swap3A_368 = arith.index_cast %swap3A_367 : i32 to index
    %swap3A_369 = arith.constant 0 : index
    %swap3A_370 = tpu.vector_load %arg6[%swap3A_368, %swap3A_369] {strides = array<i32>} : memref<128x16xf32, #tpu.memory_space<vmem>>, vector<1x16xf32>,
    %swap3A_371 = vector.shape_cast %swap3A_370 : vector<1x16xf32> to vector<16xf32>
    %swap3A_372 = vector.shape_cast %broadcast_in_dim3A_1 : vector<16xf32> to vector<1x16xf32>
    tpu.vector_store %arg6[%swap3A_368, %swap3A_369], %swap3A_372 {strides = array<i32>} : memref<128x16xf32, #tpu.memory_space<vmem>>, vector<1x16xf32>,
    %swap3A_373 = arith.constant 62 : i32
    %swap3A_374 = arith.index_cast %swap3A_373 : i32 to index
    %swap3A_375 = arith.constant 0 : index
    %swap3A_376 = tpu.vector_load %arg6[%swap3A_374, %swap3A_375] {strides = array<i32>} : memref<128x16xf32, #tpu.memory_space<vmem>>, vector<1x16xf32>,
    %swap3A_377 = vector.shape_cast %swap3A_376 : vector<1x16xf32> to vector<16xf32>
    %swap3A_378 = vector.shape_cast %broadcast_in_dim3A_1 : vector<16xf32> to vector<1x16xf32>
    tpu.vector_store %arg6[%swap3A_374, %swap3A_375], %swap3A_378 {strides = array<i32>} : memref<128x16xf32, #tpu.memory_space<vmem>>, vector<1x16xf32>,
    %swap3A_379 = arith.constant 63 : i32
    %swap3A_380 = arith.index_cast %swap3A_379 : i32 to index
    %swap3A_381 = arith.constant 0 : index
    %swap3A_382 = tpu.vector_load %arg6[%swap3A_380, %swap3A_381] {strides = array<i32>} : memref<128x16xf32, #tpu.memory_space<vmem>>, vector<1x16xf32>,
    %swap3A_383 = vector.shape_cast %swap3A_382 : vector<1x16xf32> to vector<16xf32>
    %swap3A_384 = vector.shape_cast %broadcast_in_dim3A_1 : vector<16xf32> to vector<1x16xf32>
    tpu.vector_store %arg6[%swap3A_380, %swap3A_381], %swap3A_384 {strides = array<i32>} : memref<128x16xf32, #tpu.memory_space<vmem>>, vector<1x16xf32>,
    %swap3A_385 = arith.constant 64 : i32
    %swap3A_386 = arith.index_cast %swap3A_385 : i32 to index
    %swap3A_387 = arith.constant 0 : index
    %swap3A_388 = tpu.vector_load %arg6[%swap3A_386, %swap3A_387] {strides = array<i32>} : memref<128x16xf32, #tpu.memory_space<vmem>>, vector<1x16xf32>,
    %swap3A_389 = vector.shape_cast %swap3A_388 : vector<1x16xf32> to vector<16xf32>
    %swap3A_390 = vector.shape_cast %broadcast_in_dim3A_1 : vector<16xf32> to vector<1x16xf32>
    tpu.vector_store %arg6[%swap3A_386, %swap3A_387], %swap3A_390 {strides = array<i32>} : memref<128x16xf32, #tpu.memory_space<vmem>>, vector<1x16xf32>,
    %swap3A_391 = arith.constant 65 : i32
    %swap3A_392 = arith.index_cast %swap3A_391 : i32 to index
    %swap3A_393 = arith.constant 0 : index
    %swap3A_394 = tpu.vector_load %arg6[%swap3A_392, %swap3A_393] {strides = array<i32>} : memref<128x16xf32, #tpu.memory_space<vmem>>, vector<1x16xf32>,
    %swap3A_395 = vector.shape_cast %swap3A_394 : vector<1x16xf32> to vector<16xf32>
    %swap3A_396 = vector.shape_cast %broadcast_in_dim3A_1 : vector<16xf32> to vector<1x16xf32>
    tpu.vector_store %arg6[%swap3A_392, %swap3A_393], %swap3A_396 {strides = array<i32>} : memref<128x16xf32, #tpu.memory_space<vmem>>, vector<1x16xf32>,
    %swap3A_397 = arith.constant 66 : i32
    %swap3A_398 = arith.index_cast %swap3A_397 : i32 to index
    %swap3A_399 = arith.constant 0 : index
    %swap3A_400 = tpu.vector_load %arg6[%swap3A_398, %swap3A_399] {strides = array<i32>} : memref<128x16xf32, #tpu.memory_space<vmem>>, vector<1x16xf32>,
    %swap3A_401 = vector.shape_cast %swap3A_400 : vector<1x16xf32> to vector<16xf32>
    %swap3A_402 = vector.shape_cast %broadcast_in_dim3A_1 : vector<16xf32> to vector<1x16xf32>
    tpu.vector_store %arg6[%swap3A_398, %swap3A_399], %swap3A_402 {strides = array<i32>} : memref<128x16xf32, #tpu.memory_space<vmem>>, vector<1x16xf32>,
    %swap3A_403 = arith.constant 67 : i32
    %swap3A_404 = arith.index_cast %swap3A_403 : i32 to index
    %swap3A_405 = arith.constant 0 : index
    %swap3A_406 = tpu.vector_load %arg6[%swap3A_404, %swap3A_405] {strides = array<i32>} : memref<128x16xf32, #tpu.memory_space<vmem>>, vector<1x16xf32>,
    %swap3A_407 = vector.shape_cast %swap3A_406 : vector<1x16xf32> to vector<16xf32>
    %swap3A_408 = vector.shape_cast %broadcast_in_dim3A_1 : vector<16xf32> to vector<1x16xf32>
    tpu.vector_store %arg6[%swap3A_404, %swap3A_405], %swap3A_408 {strides = array<i32>} : memref<128x16xf32, #tpu.memory_space<vmem>>, vector<1x16xf32>,
    %swap3A_409 = arith.constant 68 : i32
    %swap3A_410 = arith.index_cast %swap3A_409 : i32 to index
    %swap3A_411 = arith.constant 0 : index
    %swap3A_412 = tpu.vector_load %arg6[%swap3A_410, %swap3A_411] {strides = array<i32>} : memref<128x16xf32, #tpu.memory_space<vmem>>, vector<1x16xf32>,
    %swap3A_413 = vector.shape_cast %swap3A_412 : vector<1x16xf32> to vector<16xf32>
    %swap3A_414 = vector.shape_cast %broadcast_in_dim3A_1 : vector<16xf32> to vector<1x16xf32>
    tpu.vector_store %arg6[%swap3A_410, %swap3A_411], %swap3A_414 {strides = array<i32>} : memref<128x16xf32, #tpu.memory_space<vmem>>, vector<1x16xf32>,
    %swap3A_415 = arith.constant 69 : i32
    %swap3A_416 = arith.index_cast %swap3A_415 : i32 to index
    %swap3A_417 = arith.constant 0 : index
    %swap3A_418 = tpu.vector_load %arg6[%swap3A_416, %swap3A_417] {strides = array<i32>} : memref<128x16xf32, #tpu.memory_space<vmem>>, vector<1x16xf32>,
    %swap3A_419 = vector.shape_cast %swap3A_418 : vector<1x16xf32> to vector<16xf32>
    %swap3A_420 = vector.shape_cast %broadcast_in_dim3A_1 : vector<16xf32> to vector<1x16xf32>
    tpu.vector_store %arg6[%swap3A_416, %swap3A_417], %swap3A_420 {strides = array<i32>} : memref<128x16xf32, #tpu.memory_space<vmem>>, vector<1x16xf32>,
    %swap3A_421 = arith.constant 70 : i32
    %swap3A_422 = arith.index_cast %swap3A_421 : i32 to index
    %swap3A_423 = arith.constant 0 : index
    %swap3A_424 = tpu.vector_load %arg6[%swap3A_422, %swap3A_423] {strides = array<i32>} : memref<128x16xf32, #tpu.memory_space<vmem>>, vector<1x16xf32>,
    %swap3A_425 = vector.shape_cast %swap3A_424 : vector<1x16xf32> to vector<16xf32>
    %swap3A_426 = vector.shape_cast %broadcast_in_dim3A_1 : vector<16xf32> to vector<1x16xf32>
    tpu.vector_store %arg6[%swap3A_422, %swap3A_423], %swap3A_426 {strides = array<i32>} : memref<128x16xf32, #tpu.memory_space<vmem>>, vector<1x16xf32>,
    %swap3A_427 = arith.constant 71 : i32
    %swap3A_428 = arith.index_cast %swap3A_427 : i32 to index
    %swap3A_429 = arith.constant 0 : index
    %swap3A_430 = tpu.vector_load %arg6[%swap3A_428, %swap3A_429] {strides = array<i32>} : memref<128x16xf32, #tpu.memory_space<vmem>>, vector<1x16xf32>,
    %swap3A_431 = vector.shape_cast %swap3A_430 : vector<1x16xf32> to vector<16xf32>
    %swap3A_432 = vector.shape_cast %broadcast_in_dim3A_1 : vector<16xf32> to vector<1x16xf32>
    tpu.vector_store %arg6[%swap3A_428, %swap3A_429], %swap3A_432 {strides = array<i32>} : memref<128x16xf32, #tpu.memory_space<vmem>>, vector<1x16xf32>,
    %swap3A_433 = arith.constant 72 : i32
    %swap3A_434 = arith.index_cast %swap3A_433 : i32 to index
    %swap3A_435 = arith.constant 0 : index
    %swap3A_436 = tpu.vector_load %arg6[%swap3A_434, %swap3A_435] {strides = array<i32>} : memref<128x16xf32, #tpu.memory_space<vmem>>, vector<1x16xf32>,
    %swap3A_437 = vector.shape_cast %swap3A_436 : vector<1x16xf32> to vector<16xf32>
    %swap3A_438 = vector.shape_cast %broadcast_in_dim3A_1 : vector<16xf32> to vector<1x16xf32>
    tpu.vector_store %arg6[%swap3A_434, %swap3A_435], %swap3A_438 {strides = array<i32>} : memref<128x16xf32, #tpu.memory_space<vmem>>, vector<1x16xf32>,
    %swap3A_439 = arith.constant 73 : i32
    %swap3A_440 = arith.index_cast %swap3A_439 : i32 to index
    %swap3A_441 = arith.constant 0 : index
    %swap3A_442 = tpu.vector_load %arg6[%swap3A_440, %swap3A_441] {strides = array<i32>} : memref<128x16xf32, #tpu.memory_space<vmem>>, vector<1x16xf32>,
    %swap3A_443 = vector.shape_cast %swap3A_442 : vector<1x16xf32> to vector<16xf32>
    %swap3A_444 = vector.shape_cast %broadcast_in_dim3A_1 : vector<16xf32> to vector<1x16xf32>
    tpu.vector_store %arg6[%swap3A_440, %swap3A_441], %swap3A_444 {strides = array<i32>} : memref<128x16xf32, #tpu.memory_space<vmem>>, vector<1x16xf32>,
    %swap3A_445 = arith.constant 74 : i32
    %swap3A_446 = arith.index_cast %swap3A_445 : i32 to index
    %swap3A_447 = arith.constant 0 : index
    %swap3A_448 = tpu.vector_load %arg6[%swap3A_446, %swap3A_447] {strides = array<i32>} : memref<128x16xf32, #tpu.memory_space<vmem>>, vector<1x16xf32>,
    %swap3A_449 = vector.shape_cast %swap3A_448 : vector<1x16xf32> to vector<16xf32>
    %swap3A_450 = vector.shape_cast %broadcast_in_dim3A_1 : vector<16xf32> to vector<1x16xf32>
    tpu.vector_store %arg6[%swap3A_446, %swap3A_447], %swap3A_450 {strides = array<i32>} : memref<128x16xf32, #tpu.memory_space<vmem>>, vector<1x16xf32>,
    %swap3A_451 = arith.constant 75 : i32
    %swap3A_452 = arith.index_cast %swap3A_451 : i32 to index
    %swap3A_453 = arith.constant 0 : index
    %swap3A_454 = tpu.vector_load %arg6[%swap3A_452, %swap3A_453] {strides = array<i32>} : memref<128x16xf32, #tpu.memory_space<vmem>>, vector<1x16xf32>,
    %swap3A_455 = vector.shape_cast %swap3A_454 : vector<1x16xf32> to vector<16xf32>
    %swap3A_456 = vector.shape_cast %broadcast_in_dim3A_1 : vector<16xf32> to vector<1x16xf32>
    tpu.vector_store %arg6[%swap3A_452, %swap3A_453], %swap3A_456 {strides = array<i32>} : memref<128x16xf32, #tpu.memory_space<vmem>>, vector<1x16xf32>,
    %swap3A_457 = arith.constant 76 : i32
    %swap3A_458 = arith.index_cast %swap3A_457 : i32 to index
    %swap3A_459 = arith.constant 0 : index
    %swap3A_460 = tpu.vector_load %arg6[%swap3A_458, %swap3A_459] {strides = array<i32>} : memref<128x16xf32, #tpu.memory_space<vmem>>, vector<1x16xf32>,
    %swap3A_461 = vector.shape_cast %swap3A_460 : vector<1x16xf32> to vector<16xf32>
    %swap3A_462 = vector.shape_cast %broadcast_in_dim3A_1 : vector<16xf32> to vector<1x16xf32>
    tpu.vector_store %arg6[%swap3A_458, %swap3A_459], %swap3A_462 {strides = array<i32>} : memref<128x16xf32, #tpu.memory_space<vmem>>, vector<1x16xf32>,
    %swap3A_463 = arith.constant 77 : i32
    %swap3A_464 = arith.index_cast %swap3A_463 : i32 to index
    %swap3A_465 = arith.constant 0 : index
    %swap3A_466 = tpu.vector_load %arg6[%swap3A_464, %swap3A_465] {strides = array<i32>} : memref<128x16xf32, #tpu.memory_space<vmem>>, vector<1x16xf32>,
    %swap3A_467 = vector.shape_cast %swap3A_466 : vector<1x16xf32> to vector<16xf32>
    %swap3A_468 = vector.shape_cast %broadcast_in_dim3A_1 : vector<16xf32> to vector<1x16xf32>
    tpu.vector_store %arg6[%swap3A_464, %swap3A_465], %swap3A_468 {strides = array<i32>} : memref<128x16xf32, #tpu.memory_space<vmem>>, vector<1x16xf32>,
    %swap3A_469 = arith.constant 78 : i32
    %swap3A_470 = arith.index_cast %swap3A_469 : i32 to index
    %swap3A_471 = arith.constant 0 : index
    %swap3A_472 = tpu.vector_load %arg6[%swap3A_470, %swap3A_471] {strides = array<i32>} : memref<128x16xf32, #tpu.memory_space<vmem>>, vector<1x16xf32>,
    %swap3A_473 = vector.shape_cast %swap3A_472 : vector<1x16xf32> to vector<16xf32>
    %swap3A_474 = vector.shape_cast %broadcast_in_dim3A_1 : vector<16xf32> to vector<1x16xf32>
    tpu.vector_store %arg6[%swap3A_470, %swap3A_471], %swap3A_474 {strides = array<i32>} : memref<128x16xf32, #tpu.memory_space<vmem>>, vector<1x16xf32>,
    %swap3A_475 = arith.constant 79 : i32
    %swap3A_476 = arith.index_cast %swap3A_475 : i32 to index
    %swap3A_477 = arith.constant 0 : index
    %swap3A_478 = tpu.vector_load %arg6[%swap3A_476, %swap3A_477] {strides = array<i32>} : memref<128x16xf32, #tpu.memory_space<vmem>>, vector<1x16xf32>,
    %swap3A_479 = vector.shape_cast %swap3A_478 : vector<1x16xf32> to vector<16xf32>
    %swap3A_480 = vector.shape_cast %broadcast_in_dim3A_1 : vector<16xf32> to vector<1x16xf32>
    tpu.vector_store %arg6[%swap3A_476, %swap3A_477], %swap3A_480 {strides = array<i32>} : memref<128x16xf32, #tpu.memory_space<vmem>>, vector<1x16xf32>,
    %swap3A_481 = arith.constant 80 : i32
    %swap3A_482 = arith.index_cast %swap3A_481 : i32 to index
    %swap3A_483 = arith.constant 0 : index
    %swap3A_484 = tpu.vector_load %arg6[%swap3A_482, %swap3A_483] {strides = array<i32>} : memref<128x16xf32, #tpu.memory_space<vmem>>, vector<1x16xf32>,
    %swap3A_485 = vector.shape_cast %swap3A_484 : vector<1x16xf32> to vector<16xf32>
    %swap3A_486 = vector.shape_cast %broadcast_in_dim3A_1 : vector<16xf32> to vector<1x16xf32>
    tpu.vector_store %arg6[%swap3A_482, %swap3A_483], %swap3A_486 {strides = array<i32>} : memref<128x16xf32, #tpu.memory_space<vmem>>, vector<1x16xf32>,
    %swap3A_487 = arith.constant 81 : i32
    %swap3A_488 = arith.index_cast %swap3A_487 : i32 to index
    %swap3A_489 = arith.constant 0 : index
    %swap3A_490 = tpu.vector_load %arg6[%swap3A_488, %swap3A_489] {strides = array<i32>} : memref<128x16xf32, #tpu.memory_space<vmem>>, vector<1x16xf32>,
    %swap3A_491 = vector.shape_cast %swap3A_490 : vector<1x16xf32> to vector<16xf32>
    %swap3A_492 = vector.shape_cast %broadcast_in_dim3A_1 : vector<16xf32> to vector<1x16xf32>
    tpu.vector_store %arg6[%swap3A_488, %swap3A_489], %swap3A_492 {strides = array<i32>} : memref<128x16xf32, #tpu.memory_space<vmem>>, vector<1x16xf32>,
    %swap3A_493 = arith.constant 82 : i32
    %swap3A_494 = arith.index_cast %swap3A_493 : i32 to index
    %swap3A_495 = arith.constant 0 : index
    %swap3A_496 = tpu.vector_load %arg6[%swap3A_494, %swap3A_495] {strides = array<i32>} : memref<128x16xf32, #tpu.memory_space<vmem>>, vector<1x16xf32>,
    %swap3A_497 = vector.shape_cast %swap3A_496 : vector<1x16xf32> to vector<16xf32>
    %swap3A_498 = vector.shape_cast %broadcast_in_dim3A_1 : vector<16xf32> to vector<1x16xf32>
    tpu.vector_store %arg6[%swap3A_494, %swap3A_495], %swap3A_498 {strides = array<i32>} : memref<128x16xf32, #tpu.memory_space<vmem>>, vector<1x16xf32>,
    %swap3A_499 = arith.constant 83 : i32
    %swap3A_500 = arith.index_cast %swap3A_499 : i32 to index
    %swap3A_501 = arith.constant 0 : index
    %swap3A_502 = tpu.vector_load %arg6[%swap3A_500, %swap3A_501] {strides = array<i32>} : memref<128x16xf32, #tpu.memory_space<vmem>>, vector<1x16xf32>,
    %swap3A_503 = vector.shape_cast %swap3A_502 : vector<1x16xf32> to vector<16xf32>
    %swap3A_504 = vector.shape_cast %broadcast_in_dim3A_1 : vector<16xf32> to vector<1x16xf32>
    tpu.vector_store %arg6[%swap3A_500, %swap3A_501], %swap3A_504 {strides = array<i32>} : memref<128x16xf32, #tpu.memory_space<vmem>>, vector<1x16xf32>,
    %swap3A_505 = arith.constant 84 : i32
    %swap3A_506 = arith.index_cast %swap3A_505 : i32 to index
    %swap3A_507 = arith.constant 0 : index
    %swap3A_508 = tpu.vector_load %arg6[%swap3A_506, %swap3A_507] {strides = array<i32>} : memref<128x16xf32, #tpu.memory_space<vmem>>, vector<1x16xf32>,
    %swap3A_509 = vector.shape_cast %swap3A_508 : vector<1x16xf32> to vector<16xf32>
    %swap3A_510 = vector.shape_cast %broadcast_in_dim3A_1 : vector<16xf32> to vector<1x16xf32>
    tpu.vector_store %arg6[%swap3A_506, %swap3A_507], %swap3A_510 {strides = array<i32>} : memref<128x16xf32, #tpu.memory_space<vmem>>, vector<1x16xf32>,
    %swap3A_511 = arith.constant 85 : i32
    %swap3A_512 = arith.index_cast %swap3A_511 : i32 to index
    %swap3A_513 = arith.constant 0 : index
    %swap3A_514 = tpu.vector_load %arg6[%swap3A_512, %swap3A_513] {strides = array<i32>} : memref<128x16xf32, #tpu.memory_space<vmem>>, vector<1x16xf32>,
    %swap3A_515 = vector.shape_cast %swap3A_514 : vector<1x16xf32> to vector<16xf32>
    %swap3A_516 = vector.shape_cast %broadcast_in_dim3A_1 : vector<16xf32> to vector<1x16xf32>
    tpu.vector_store %arg6[%swap3A_512, %swap3A_513], %swap3A_516 {strides = array<i32>} : memref<128x16xf32, #tpu.memory_space<vmem>>, vector<1x16xf32>,
    %swap3A_517 = arith.constant 86 : i32
    %swap3A_518 = arith.index_cast %swap3A_517 : i32 to index
    %swap3A_519 = arith.constant 0 : index
    %swap3A_520 = tpu.vector_load %arg6[%swap3A_518, %swap3A_519] {strides = array<i32>} : memref<128x16xf32, #tpu.memory_space<vmem>>, vector<1x16xf32>,
    %swap3A_521 = vector.shape_cast %swap3A_520 : vector<1x16xf32> to vector<16xf32>
    %swap3A_522 = vector.shape_cast %broadcast_in_dim3A_1 : vector<16xf32> to vector<1x16xf32>
    tpu.vector_store %arg6[%swap3A_518, %swap3A_519], %swap3A_522 {strides = array<i32>} : memref<128x16xf32, #tpu.memory_space<vmem>>, vector<1x16xf32>,
    %swap3A_523 = arith.constant 87 : i32
    %swap3A_524 = arith.index_cast %swap3A_523 : i32 to index
    %swap3A_525 = arith.constant 0 : index
    %swap3A_526 = tpu.vector_load %arg6[%swap3A_524, %swap3A_525] {strides = array<i32>} : memref<128x16xf32, #tpu.memory_space<vmem>>, vector<1x16xf32>,
    %swap3A_527 = vector.shape_cast %swap3A_526 : vector<1x16xf32> to vector<16xf32>
    %swap3A_528 = vector.shape_cast %broadcast_in_dim3A_1 : vector<16xf32> to vector<1x16xf32>
    tpu.vector_store %arg6[%swap3A_524, %swap3A_525], %swap3A_528 {strides = array<i32>} : memref<128x16xf32, #tpu.memory_space<vmem>>, vector<1x16xf32>,
    %swap3A_529 = arith.constant 88 : i32
    %swap3A_530 = arith.index_cast %swap3A_529 : i32 to index
    %swap3A_531 = arith.constant 0 : index
    %swap3A_532 = tpu.vector_load %arg6[%swap3A_530, %swap3A_531] {strides = array<i32>} : memref<128x16xf32, #tpu.memory_space<vmem>>, vector<1x16xf32>,
    %swap3A_533 = vector.shape_cast %swap3A_532 : vector<1x16xf32> to vector<16xf32>
    %swap3A_534 = vector.shape_cast %broadcast_in_dim3A_1 : vector<16xf32> to vector<1x16xf32>
    tpu.vector_store %arg6[%swap3A_530, %swap3A_531], %swap3A_534 {strides = array<i32>} : memref<128x16xf32, #tpu.memory_space<vmem>>, vector<1x16xf32>,
    %swap3A_535 = arith.constant 89 : i32
    %swap3A_536 = arith.index_cast %swap3A_535 : i32 to index
    %swap3A_537 = arith.constant 0 : index
    %swap3A_538 = tpu.vector_load %arg6[%swap3A_536, %swap3A_537] {strides = array<i32>} : memref<128x16xf32, #tpu.memory_space<vmem>>, vector<1x16xf32>,
    %swap3A_539 = vector.shape_cast %swap3A_538 : vector<1x16xf32> to vector<16xf32>
    %swap3A_540 = vector.shape_cast %broadcast_in_dim3A_1 : vector<16xf32> to vector<1x16xf32>
    tpu.vector_store %arg6[%swap3A_536, %swap3A_537], %swap3A_540 {strides = array<i32>} : memref<128x16xf32, #tpu.memory_space<vmem>>, vector<1x16xf32>,
    %swap3A_541 = arith.constant 90 : i32
    %swap3A_542 = arith.index_cast %swap3A_541 : i32 to index
    %swap3A_543 = arith.constant 0 : index
    %swap3A_544 = tpu.vector_load %arg6[%swap3A_542, %swap3A_543] {strides = array<i32>} : memref<128x16xf32, #tpu.memory_space<vmem>>, vector<1x16xf32>,
    %swap3A_545 = vector.shape_cast %swap3A_544 : vector<1x16xf32> to vector<16xf32>
    %swap3A_546 = vector.shape_cast %broadcast_in_dim3A_1 : vector<16xf32> to vector<1x16xf32>
    tpu.vector_store %arg6[%swap3A_542, %swap3A_543], %swap3A_546 {strides = array<i32>} : memref<128x16xf32, #tpu.memory_space<vmem>>, vector<1x16xf32>,
    %swap3A_547 = arith.constant 91 : i32
    %swap3A_548 = arith.index_cast %swap3A_547 : i32 to index
    %swap3A_549 = arith.constant 0 : index
    %swap3A_550 = tpu.vector_load %arg6[%swap3A_548, %swap3A_549] {strides = array<i32>} : memref<128x16xf32, #tpu.memory_space<vmem>>, vector<1x16xf32>,
    %swap3A_551 = vector.shape_cast %swap3A_550 : vector<1x16xf32> to vector<16xf32>
    %swap3A_552 = vector.shape_cast %broadcast_in_dim3A_1 : vector<16xf32> to vector<1x16xf32>
    tpu.vector_store %arg6[%swap3A_548, %swap3A_549], %swap3A_552 {strides = array<i32>} : memref<128x16xf32, #tpu.memory_space<vmem>>, vector<1x16xf32>,
    %swap3A_553 = arith.constant 92 : i32
    %swap3A_554 = arith.index_cast %swap3A_553 : i32 to index
    %swap3A_555 = arith.constant 0 : index
    %swap3A_556 = tpu.vector_load %arg6[%swap3A_554, %swap3A_555] {strides = array<i32>} : memref<128x16xf32, #tpu.memory_space<vmem>>, vector<1x16xf32>,
    %swap3A_557 = vector.shape_cast %swap3A_556 : vector<1x16xf32> to vector<16xf32>
    %swap3A_558 = vector.shape_cast %broadcast_in_dim3A_1 : vector<16xf32> to vector<1x16xf32>
    tpu.vector_store %arg6[%swap3A_554, %swap3A_555], %swap3A_558 {strides = array<i32>} : memref<128x16xf32, #tpu.memory_space<vmem>>, vector<1x16xf32>,
    %swap3A_559 = arith.constant 93 : i32
    %swap3A_560 = arith.index_cast %swap3A_559 : i32 to index
    %swap3A_561 = arith.constant 0 : index
    %swap3A_562 = tpu.vector_load %arg6[%swap3A_560, %swap3A_561] {strides = array<i32>} : memref<128x16xf32, #tpu.memory_space<vmem>>, vector<1x16xf32>,
    %swap3A_563 = vector.shape_cast %swap3A_562 : vector<1x16xf32> to vector<16xf32>
    %swap3A_564 = vector.shape_cast %broadcast_in_dim3A_1 : vector<16xf32> to vector<1x16xf32>
    tpu.vector_store %arg6[%swap3A_560, %swap3A_561], %swap3A_564 {strides = array<i32>} : memref<128x16xf32, #tpu.memory_space<vmem>>, vector<1x16xf32>,
    %swap3A_565 = arith.constant 94 : i32
    %swap3A_566 = arith.index_cast %swap3A_565 : i32 to index
    %swap3A_567 = arith.constant 0 : index
    %swap3A_568 = tpu.vector_load %arg6[%swap3A_566, %swap3A_567] {strides = array<i32>} : memref<128x16xf32, #tpu.memory_space<vmem>>, vector<1x16xf32>,
    %swap3A_569 = vector.shape_cast %swap3A_568 : vector<1x16xf32> to vector<16xf32>
    %swap3A_570 = vector.shape_cast %broadcast_in_dim3A_1 : vector<16xf32> to vector<1x16xf32>
    tpu.vector_store %arg6[%swap3A_566, %swap3A_567], %swap3A_570 {strides = array<i32>} : memref<128x16xf32, #tpu.memory_space<vmem>>, vector<1x16xf32>,
    %swap3A_571 = arith.constant 95 : i32
    %swap3A_572 = arith.index_cast %swap3A_571 : i32 to index
    %swap3A_573 = arith.constant 0 : index
    %swap3A_574 = tpu.vector_load %arg6[%swap3A_572, %swap3A_573] {strides = array<i32>} : memref<128x16xf32, #tpu.memory_space<vmem>>, vector<1x16xf32>,
    %swap3A_575 = vector.shape_cast %swap3A_574 : vector<1x16xf32> to vector<16xf32>
    %swap3A_576 = vector.shape_cast %broadcast_in_dim3A_1 : vector<16xf32> to vector<1x16xf32>
    tpu.vector_store %arg6[%swap3A_572, %swap3A_573], %swap3A_576 {strides = array<i32>} : memref<128x16xf32, #tpu.memory_space<vmem>>, vector<1x16xf32>,
    %swap3A_577 = arith.constant 96 : i32
    %swap3A_578 = arith.index_cast %swap3A_577 : i32 to index
    %swap3A_579 = arith.constant 0 : index
    %swap3A_580 = tpu.vector_load %arg6[%swap3A_578, %swap3A_579] {strides = array<i32>} : memref<128x16xf32, #tpu.memory_space<vmem>>, vector<1x16xf32>,
    %swap3A_581 = vector.shape_cast %swap3A_580 : vector<1x16xf32> to vector<16xf32>
    %swap3A_582 = vector.shape_cast %broadcast_in_dim3A_1 : vector<16xf32> to vector<1x16xf32>
    tpu.vector_store %arg6[%swap3A_578, %swap3A_579], %swap3A_582 {strides = array<i32>} : memref<128x16xf32, #tpu.memory_space<vmem>>, vector<1x16xf32>,
    %swap3A_583 = arith.constant 97 : i32
    %swap3A_584 = arith.index_cast %swap3A_583 : i32 to index
    %swap3A_585 = arith.constant 0 : index
    %swap3A_586 = tpu.vector_load %arg6[%swap3A_584, %swap3A_585] {strides = array<i32>} : memref<128x16xf32, #tpu.memory_space<vmem>>, vector<1x16xf32>,
    %swap3A_587 = vector.shape_cast %swap3A_586 : vector<1x16xf32> to vector<16xf32>
    %swap3A_588 = vector.shape_cast %broadcast_in_dim3A_1 : vector<16xf32> to vector<1x16xf32>
    tpu.vector_store %arg6[%swap3A_584, %swap3A_585], %swap3A_588 {strides = array<i32>} : memref<128x16xf32, #tpu.memory_space<vmem>>, vector<1x16xf32>,
    %swap3A_589 = arith.constant 98 : i32
    %swap3A_590 = arith.index_cast %swap3A_589 : i32 to index
    %swap3A_591 = arith.constant 0 : index
    %swap3A_592 = tpu.vector_load %arg6[%swap3A_590, %swap3A_591] {strides = array<i32>} : memref<128x16xf32, #tpu.memory_space<vmem>>, vector<1x16xf32>,
    %swap3A_593 = vector.shape_cast %swap3A_592 : vector<1x16xf32> to vector<16xf32>
    %swap3A_594 = vector.shape_cast %broadcast_in_dim3A_1 : vector<16xf32> to vector<1x16xf32>
    tpu.vector_store %arg6[%swap3A_590, %swap3A_591], %swap3A_594 {strides = array<i32>} : memref<128x16xf32, #tpu.memory_space<vmem>>, vector<1x16xf32>,
    %swap3A_595 = arith.constant 99 : i32
    %swap3A_596 = arith.index_cast %swap3A_595 : i32 to index
    %swap3A_597 = arith.constant 0 : index
    %swap3A_598 = tpu.vector_load %arg6[%swap3A_596, %swap3A_597] {strides = array<i32>} : memref<128x16xf32, #tpu.memory_space<vmem>>, vector<1x16xf32>,
    %swap3A_599 = vector.shape_cast %swap3A_598 : vector<1x16xf32> to vector<16xf32>
    %swap3A_600 = vector.shape_cast %broadcast_in_dim3A_1 : vector<16xf32> to vector<1x16xf32>
    tpu.vector_store %arg6[%swap3A_596, %swap3A_597], %swap3A_600 {strides = array<i32>} : memref<128x16xf32, #tpu.memory_space<vmem>>, vector<1x16xf32>,
    %swap3A_601 = arith.constant 100 : i32
    %swap3A_602 = arith.index_cast %swap3A_601 : i32 to index
    %swap3A_603 = arith.constant 0 : index
    %swap3A_604 = tpu.vector_load %arg6[%swap3A_602, %swap3A_603] {strides = array<i32>} : memref<128x16xf32, #tpu.memory_space<vmem>>, vector<1x16xf32>,
    %swap3A_605 = vector.shape_cast %swap3A_604 : vector<1x16xf32> to vector<16xf32>
    %swap3A_606 = vector.shape_cast %broadcast_in_dim3A_1 : vector<16xf32> to vector<1x16xf32>
    tpu.vector_store %arg6[%swap3A_602, %swap3A_603], %swap3A_606 {strides = array<i32>} : memref<128x16xf32, #tpu.memory_space<vmem>>, vector<1x16xf32>,
    %swap3A_607 = arith.constant 101 : i32
    %swap3A_608 = arith.index_cast %swap3A_607 : i32 to index
    %swap3A_609 = arith.constant 0 : index
    %swap3A_610 = tpu.vector_load %arg6[%swap3A_608, %swap3A_609] {strides = array<i32>} : memref<128x16xf32, #tpu.memory_space<vmem>>, vector<1x16xf32>,
    %swap3A_611 = vector.shape_cast %swap3A_610 : vector<1x16xf32> to vector<16xf32>
    %swap3A_612 = vector.shape_cast %broadcast_in_dim3A_1 : vector<16xf32> to vector<1x16xf32>
    tpu.vector_store %arg6[%swap3A_608, %swap3A_609], %swap3A_612 {strides = array<i32>} : memref<128x16xf32, #tpu.memory_space<vmem>>, vector<1x16xf32>,
    %swap3A_613 = arith.constant 102 : i32
    %swap3A_614 = arith.index_cast %swap3A_613 : i32 to index
    %swap3A_615 = arith.constant 0 : index
    %swap3A_616 = tpu.vector_load %arg6[%swap3A_614, %swap3A_615] {strides = array<i32>} : memref<128x16xf32, #tpu.memory_space<vmem>>, vector<1x16xf32>,
    %swap3A_617 = vector.shape_cast %swap3A_616 : vector<1x16xf32> to vector<16xf32>
    %swap3A_618 = vector.shape_cast %broadcast_in_dim3A_1 : vector<16xf32> to vector<1x16xf32>
    tpu.vector_store %arg6[%swap3A_614, %swap3A_615], %swap3A_618 {strides = array<i32>} : memref<128x16xf32, #tpu.memory_space<vmem>>, vector<1x16xf32>,
    %swap3A_619 = arith.constant 103 : i32
    %swap3A_620 = arith.index_cast %swap3A_619 : i32 to index
    %swap3A_621 = arith.constant 0 : index
    %swap3A_622 = tpu.vector_load %arg6[%swap3A_620, %swap3A_621] {strides = array<i32>} : memref<128x16xf32, #tpu.memory_space<vmem>>, vector<1x16xf32>,
    %swap3A_623 = vector.shape_cast %swap3A_622 : vector<1x16xf32> to vector<16xf32>
    %swap3A_624 = vector.shape_cast %broadcast_in_dim3A_1 : vector<16xf32> to vector<1x16xf32>
    tpu.vector_store %arg6[%swap3A_620, %swap3A_621], %swap3A_624 {strides = array<i32>} : memref<128x16xf32, #tpu.memory_space<vmem>>, vector<1x16xf32>,
    %swap3A_625 = arith.constant 104 : i32
    %swap3A_626 = arith.index_cast %swap3A_625 : i32 to index
    %swap3A_627 = arith.constant 0 : index
    %swap3A_628 = tpu.vector_load %arg6[%swap3A_626, %swap3A_627] {strides = array<i32>} : memref<128x16xf32, #tpu.memory_space<vmem>>, vector<1x16xf32>,
    %swap3A_629 = vector.shape_cast %swap3A_628 : vector<1x16xf32> to vector<16xf32>
    %swap3A_630 = vector.shape_cast %broadcast_in_dim3A_1 : vector<16xf32> to vector<1x16xf32>
    tpu.vector_store %arg6[%swap3A_626, %swap3A_627], %swap3A_630 {strides = array<i32>} : memref<128x16xf32, #tpu.memory_space<vmem>>, vector<1x16xf32>,
    %swap3A_631 = arith.constant 105 : i32
    %swap3A_632 = arith.index_cast %swap3A_631 : i32 to index
    %swap3A_633 = arith.constant 0 : index
    %swap3A_634 = tpu.vector_load %arg6[%swap3A_632, %swap3A_633] {strides = array<i32>} : memref<128x16xf32, #tpu.memory_space<vmem>>, vector<1x16xf32>,
    %swap3A_635 = vector.shape_cast %swap3A_634 : vector<1x16xf32> to vector<16xf32>
    %swap3A_636 = vector.shape_cast %broadcast_in_dim3A_1 : vector<16xf32> to vector<1x16xf32>
    tpu.vector_store %arg6[%swap3A_632, %swap3A_633], %swap3A_636 {strides = array<i32>} : memref<128x16xf32, #tpu.memory_space<vmem>>, vector<1x16xf32>,
    %swap3A_637 = arith.constant 106 : i32
    %swap3A_638 = arith.index_cast %swap3A_637 : i32 to index
    %swap3A_639 = arith.constant 0 : index
    %swap3A_640 = tpu.vector_load %arg6[%swap3A_638, %swap3A_639] {strides = array<i32>} : memref<128x16xf32, #tpu.memory_space<vmem>>, vector<1x16xf32>,
    %swap3A_641 = vector.shape_cast %swap3A_640 : vector<1x16xf32> to vector<16xf32>
    %swap3A_642 = vector.shape_cast %broadcast_in_dim3A_1 : vector<16xf32> to vector<1x16xf32>
    tpu.vector_store %arg6[%swap3A_638, %swap3A_639], %swap3A_642 {strides = array<i32>} : memref<128x16xf32, #tpu.memory_space<vmem>>, vector<1x16xf32>,
    %swap3A_643 = arith.constant 107 : i32
    %swap3A_644 = arith.index_cast %swap3A_643 : i32 to index
    %swap3A_645 = arith.constant 0 : index
    %swap3A_646 = tpu.vector_load %arg6[%swap3A_644, %swap3A_645] {strides = array<i32>} : memref<128x16xf32, #tpu.memory_space<vmem>>, vector<1x16xf32>,
    %swap3A_647 = vector.shape_cast %swap3A_646 : vector<1x16xf32> to vector<16xf32>
    %swap3A_648 = vector.shape_cast %broadcast_in_dim3A_1 : vector<16xf32> to vector<1x16xf32>
    tpu.vector_store %arg6[%swap3A_644, %swap3A_645], %swap3A_648 {strides = array<i32>} : memref<128x16xf32, #tpu.memory_space<vmem>>, vector<1x16xf32>,
    %swap3A_649 = arith.constant 108 : i32
    %swap3A_650 = arith.index_cast %swap3A_649 : i32 to index
    %swap3A_651 = arith.constant 0 : index
    %swap3A_652 = tpu.vector_load %arg6[%swap3A_650, %swap3A_651] {strides = array<i32>} : memref<128x16xf32, #tpu.memory_space<vmem>>, vector<1x16xf32>,
    %swap3A_653 = vector.shape_cast %swap3A_652 : vector<1x16xf32> to vector<16xf32>
    %swap3A_654 = vector.shape_cast %broadcast_in_dim3A_1 : vector<16xf32> to vector<1x16xf32>
    tpu.vector_store %arg6[%swap3A_650, %swap3A_651], %swap3A_654 {strides = array<i32>} : memref<128x16xf32, #tpu.memory_space<vmem>>, vector<1x16xf32>,
    %swap3A_655 = arith.constant 109 : i32
    %swap3A_656 = arith.index_cast %swap3A_655 : i32 to index
    %swap3A_657 = arith.constant 0 : index
    %swap3A_658 = tpu.vector_load %arg6[%swap3A_656, %swap3A_657] {strides = array<i32>} : memref<128x16xf32, #tpu.memory_space<vmem>>, vector<1x16xf32>,
    %swap3A_659 = vector.shape_cast %swap3A_658 : vector<1x16xf32> to vector<16xf32>
    %swap3A_660 = vector.shape_cast %broadcast_in_dim3A_1 : vector<16xf32> to vector<1x16xf32>
    tpu.vector_store %arg6[%swap3A_656, %swap3A_657], %swap3A_660 {strides = array<i32>} : memref<128x16xf32, #tpu.memory_space<vmem>>, vector<1x16xf32>,
    %swap3A_661 = arith.constant 110 : i32
    %swap3A_662 = arith.index_cast %swap3A_661 : i32 to index
    %swap3A_663 = arith.constant 0 : index
    %swap3A_664 = tpu.vector_load %arg6[%swap3A_662, %swap3A_663] {strides = array<i32>} : memref<128x16xf32, #tpu.memory_space<vmem>>, vector<1x16xf32>,
    %swap3A_665 = vector.shape_cast %swap3A_664 : vector<1x16xf32> to vector<16xf32>
    %swap3A_666 = vector.shape_cast %broadcast_in_dim3A_1 : vector<16xf32> to vector<1x16xf32>
    tpu.vector_store %arg6[%swap3A_662, %swap3A_663], %swap3A_666 {strides = array<i32>} : memref<128x16xf32, #tpu.memory_space<vmem>>, vector<1x16xf32>,
    %swap3A_667 = arith.constant 111 : i32
    %swap3A_668 = arith.index_cast %swap3A_667 : i32 to index
    %swap3A_669 = arith.constant 0 : index
    %swap3A_670 = tpu.vector_load %arg6[%swap3A_668, %swap3A_669] {strides = array<i32>} : memref<128x16xf32, #tpu.memory_space<vmem>>, vector<1x16xf32>,
    %swap3A_671 = vector.shape_cast %swap3A_670 : vector<1x16xf32> to vector<16xf32>
    %swap3A_672 = vector.shape_cast %broadcast_in_dim3A_1 : vector<16xf32> to vector<1x16xf32>
    tpu.vector_store %arg6[%swap3A_668, %swap3A_669], %swap3A_672 {strides = array<i32>} : memref<128x16xf32, #tpu.memory_space<vmem>>, vector<1x16xf32>,
    %swap3A_673 = arith.constant 112 : i32
    %swap3A_674 = arith.index_cast %swap3A_673 : i32 to index
    %swap3A_675 = arith.constant 0 : index
    %swap3A_676 = tpu.vector_load %arg6[%swap3A_674, %swap3A_675] {strides = array<i32>} : memref<128x16xf32, #tpu.memory_space<vmem>>, vector<1x16xf32>,
    %swap3A_677 = vector.shape_cast %swap3A_676 : vector<1x16xf32> to vector<16xf32>
    %swap3A_678 = vector.shape_cast %broadcast_in_dim3A_1 : vector<16xf32> to vector<1x16xf32>
    tpu.vector_store %arg6[%swap3A_674, %swap3A_675], %swap3A_678 {strides = array<i32>} : memref<128x16xf32, #tpu.memory_space<vmem>>, vector<1x16xf32>,
    %swap3A_679 = arith.constant 113 : i32
    %swap3A_680 = arith.index_cast %swap3A_679 : i32 to index
    %swap3A_681 = arith.constant 0 : index
    %swap3A_682 = tpu.vector_load %arg6[%swap3A_680, %swap3A_681] {strides = array<i32>} : memref<128x16xf32, #tpu.memory_space<vmem>>, vector<1x16xf32>,
    %swap3A_683 = vector.shape_cast %swap3A_682 : vector<1x16xf32> to vector<16xf32>
    %swap3A_684 = vector.shape_cast %broadcast_in_dim3A_1 : vector<16xf32> to vector<1x16xf32>
    tpu.vector_store %arg6[%swap3A_680, %swap3A_681], %swap3A_684 {strides = array<i32>} : memref<128x16xf32, #tpu.memory_space<vmem>>, vector<1x16xf32>,
    %swap3A_685 = arith.constant 114 : i32
    %swap3A_686 = arith.index_cast %swap3A_685 : i32 to index
    %swap3A_687 = arith.constant 0 : index
    %swap3A_688 = tpu.vector_load %arg6[%swap3A_686, %swap3A_687] {strides = array<i32>} : memref<128x16xf32, #tpu.memory_space<vmem>>, vector<1x16xf32>,
    %swap3A_689 = vector.shape_cast %swap3A_688 : vector<1x16xf32> to vector<16xf32>
    %swap3A_690 = vector.shape_cast %broadcast_in_dim3A_1 : vector<16xf32> to vector<1x16xf32>
    tpu.vector_store %arg6[%swap3A_686, %swap3A_687], %swap3A_690 {strides = array<i32>} : memref<128x16xf32, #tpu.memory_space<vmem>>, vector<1x16xf32>,
    %swap3A_691 = arith.constant 115 : i32
    %swap3A_692 = arith.index_cast %swap3A_691 : i32 to index
    %swap3A_693 = arith.constant 0 : index
    %swap3A_694 = tpu.vector_load %arg6[%swap3A_692, %swap3A_693] {strides = array<i32>} : memref<128x16xf32, #tpu.memory_space<vmem>>, vector<1x16xf32>,
    %swap3A_695 = vector.shape_cast %swap3A_694 : vector<1x16xf32> to vector<16xf32>
    %swap3A_696 = vector.shape_cast %broadcast_in_dim3A_1 : vector<16xf32> to vector<1x16xf32>
    tpu.vector_store %arg6[%swap3A_692, %swap3A_693], %swap3A_696 {strides = array<i32>} : memref<128x16xf32, #tpu.memory_space<vmem>>, vector<1x16xf32>,
    %swap3A_697 = arith.constant 116 : i32
    %swap3A_698 = arith.index_cast %swap3A_697 : i32 to index
    %swap3A_699 = arith.constant 0 : index
    %swap3A_700 = tpu.vector_load %arg6[%swap3A_698, %swap3A_699] {strides = array<i32>} : memref<128x16xf32, #tpu.memory_space<vmem>>, vector<1x16xf32>,
    %swap3A_701 = vector.shape_cast %swap3A_700 : vector<1x16xf32> to vector<16xf32>
    %swap3A_702 = vector.shape_cast %broadcast_in_dim3A_1 : vector<16xf32> to vector<1x16xf32>
    tpu.vector_store %arg6[%swap3A_698, %swap3A_699], %swap3A_702 {strides = array<i32>} : memref<128x16xf32, #tpu.memory_space<vmem>>, vector<1x16xf32>,
    %swap3A_703 = arith.constant 117 : i32
    %swap3A_704 = arith.index_cast %swap3A_703 : i32 to index
    %swap3A_705 = arith.constant 0 : index
    %swap3A_706 = tpu.vector_load %arg6[%swap3A_704, %swap3A_705] {strides = array<i32>} : memref<128x16xf32, #tpu.memory_space<vmem>>, vector<1x16xf32>,
    %swap3A_707 = vector.shape_cast %swap3A_706 : vector<1x16xf32> to vector<16xf32>
    %swap3A_708 = vector.shape_cast %broadcast_in_dim3A_1 : vector<16xf32> to vector<1x16xf32>
    tpu.vector_store %arg6[%swap3A_704, %swap3A_705], %swap3A_708 {strides = array<i32>} : memref<128x16xf32, #tpu.memory_space<vmem>>, vector<1x16xf32>,
    %swap3A_709 = arith.constant 118 : i32
    %swap3A_710 = arith.index_cast %swap3A_709 : i32 to index
    %swap3A_711 = arith.constant 0 : index
    %swap3A_712 = tpu.vector_load %arg6[%swap3A_710, %swap3A_711] {strides = array<i32>} : memref<128x16xf32, #tpu.memory_space<vmem>>, vector<1x16xf32>,
    %swap3A_713 = vector.shape_cast %swap3A_712 : vector<1x16xf32> to vector<16xf32>
    %swap3A_714 = vector.shape_cast %broadcast_in_dim3A_1 : vector<16xf32> to vector<1x16xf32>
    tpu.vector_store %arg6[%swap3A_710, %swap3A_711], %swap3A_714 {strides = array<i32>} : memref<128x16xf32, #tpu.memory_space<vmem>>, vector<1x16xf32>,
    %swap3A_715 = arith.constant 119 : i32
    %swap3A_716 = arith.index_cast %swap3A_715 : i32 to index
    %swap3A_717 = arith.constant 0 : index
    %swap3A_718 = tpu.vector_load %arg6[%swap3A_716, %swap3A_717] {strides = array<i32>} : memref<128x16xf32, #tpu.memory_space<vmem>>, vector<1x16xf32>,
    %swap3A_719 = vector.shape_cast %swap3A_718 : vector<1x16xf32> to vector<16xf32>
    %swap3A_720 = vector.shape_cast %broadcast_in_dim3A_1 : vector<16xf32> to vector<1x16xf32>
    tpu.vector_store %arg6[%swap3A_716, %swap3A_717], %swap3A_720 {strides = array<i32>} : memref<128x16xf32, #tpu.memory_space<vmem>>, vector<1x16xf32>,
    %swap3A_721 = arith.constant 120 : i32
    %swap3A_722 = arith.index_cast %swap3A_721 : i32 to index
    %swap3A_723 = arith.constant 0 : index
    %swap3A_724 = tpu.vector_load %arg6[%swap3A_722, %swap3A_723] {strides = array<i32>} : memref<128x16xf32, #tpu.memory_space<vmem>>, vector<1x16xf32>,
    %swap3A_725 = vector.shape_cast %swap3A_724 : vector<1x16xf32> to vector<16xf32>
    %swap3A_726 = vector.shape_cast %broadcast_in_dim3A_1 : vector<16xf32> to vector<1x16xf32>
    tpu.vector_store %arg6[%swap3A_722, %swap3A_723], %swap3A_726 {strides = array<i32>} : memref<128x16xf32, #tpu.memory_space<vmem>>, vector<1x16xf32>,
    %swap3A_727 = arith.constant 121 : i32
    %swap3A_728 = arith.index_cast %swap3A_727 : i32 to index
    %swap3A_729 = arith.constant 0 : index
    %swap3A_730 = tpu.vector_load %arg6[%swap3A_728, %swap3A_729] {strides = array<i32>} : memref<128x16xf32, #tpu.memory_space<vmem>>, vector<1x16xf32>,
    %swap3A_731 = vector.shape_cast %swap3A_730 : vector<1x16xf32> to vector<16xf32>
    %swap3A_732 = vector.shape_cast %broadcast_in_dim3A_1 : vector<16xf32> to vector<1x16xf32>
    tpu.vector_store %arg6[%swap3A_728, %swap3A_729], %swap3A_732 {strides = array<i32>} : memref<128x16xf32, #tpu.memory_space<vmem>>, vector<1x16xf32>,
    %swap3A_733 = arith.constant 122 : i32
    %swap3A_734 = arith.index_cast %swap3A_733 : i32 to index
    %swap3A_735 = arith.constant 0 : index
    %swap3A_736 = tpu.vector_load %arg6[%swap3A_734, %swap3A_735] {strides = array<i32>} : memref<128x16xf32, #tpu.memory_space<vmem>>, vector<1x16xf32>,
    %swap3A_737 = vector.shape_cast %swap3A_736 : vector<1x16xf32> to vector<16xf32>
    %swap3A_738 = vector.shape_cast %broadcast_in_dim3A_1 : vector<16xf32> to vector<1x16xf32>
    tpu.vector_store %arg6[%swap3A_734, %swap3A_735], %swap3A_738 {strides = array<i32>} : memref<128x16xf32, #tpu.memory_space<vmem>>, vector<1x16xf32>,
    %swap3A_739 = arith.constant 123 : i32
    %swap3A_740 = arith.index_cast %swap3A_739 : i32 to index
    %swap3A_741 = arith.constant 0 : index
    %swap3A_742 = tpu.vector_load %arg6[%swap3A_740, %swap3A_741] {strides = array<i32>} : memref<128x16xf32, #tpu.memory_space<vmem>>, vector<1x16xf32>,
    %swap3A_743 = vector.shape_cast %swap3A_742 : vector<1x16xf32> to vector<16xf32>
    %swap3A_744 = vector.shape_cast %broadcast_in_dim3A_1 : vector<16xf32> to vector<1x16xf32>
    tpu.vector_store %arg6[%swap3A_740, %swap3A_741], %swap3A_744 {strides = array<i32>} : memref<128x16xf32, #tpu.memory_space<vmem>>, vector<1x16xf32>,
    %swap3A_745 = arith.constant 124 : i32
    %swap3A_746 = arith.index_cast %swap3A_745 : i32 to index
    %swap3A_747 = arith.constant 0 : index
    %swap3A_748 = tpu.vector_load %arg6[%swap3A_746, %swap3A_747] {strides = array<i32>} : memref<128x16xf32, #tpu.memory_space<vmem>>, vector<1x16xf32>,
    %swap3A_749 = vector.shape_cast %swap3A_748 : vector<1x16xf32> to vector<16xf32>
    %swap3A_750 = vector.shape_cast %broadcast_in_dim3A_1 : vector<16xf32> to vector<1x16xf32>
    tpu.vector_store %arg6[%swap3A_746, %swap3A_747], %swap3A_750 {strides = array<i32>} : memref<128x16xf32, #tpu.memory_space<vmem>>, vector<1x16xf32>,
    %swap3A_751 = arith.constant 125 : i32
    %swap3A_752 = arith.index_cast %swap3A_751 : i32 to index
    %swap3A_753 = arith.constant 0 : index
    %swap3A_754 = tpu.vector_load %arg6[%swap3A_752, %swap3A_753] {strides = array<i32>} : memref<128x16xf32, #tpu.memory_space<vmem>>, vector<1x16xf32>,
    %swap3A_755 = vector.shape_cast %swap3A_754 : vector<1x16xf32> to vector<16xf32>
    %swap3A_756 = vector.shape_cast %broadcast_in_dim3A_1 : vector<16xf32> to vector<1x16xf32>
    tpu.vector_store %arg6[%swap3A_752, %swap3A_753], %swap3A_756 {strides = array<i32>} : memref<128x16xf32, #tpu.memory_space<vmem>>, vector<1x16xf32>,
    %swap3A_757 = arith.constant 126 : i32
    %swap3A_758 = arith.index_cast %swap3A_757 : i32 to index
    %swap3A_759 = arith.constant 0 : index
    %swap3A_760 = tpu.vector_load %arg6[%swap3A_758, %swap3A_759] {strides = array<i32>} : memref<128x16xf32, #tpu.memory_space<vmem>>, vector<1x16xf32>,
    %swap3A_761 = vector.shape_cast %swap3A_760 : vector<1x16xf32> to vector<16xf32>
    %swap3A_762 = vector.shape_cast %broadcast_in_dim3A_1 : vector<16xf32> to vector<1x16xf32>
    tpu.vector_store %arg6[%swap3A_758, %swap3A_759], %swap3A_762 {strides = array<i32>} : memref<128x16xf32, #tpu.memory_space<vmem>>, vector<1x16xf32>,
    %swap3A_763 = arith.constant 127 : i32
    %swap3A_764 = arith.index_cast %swap3A_763 : i32 to index
    %swap3A_765 = arith.constant 0 : index
    %swap3A_766 = tpu.vector_load %arg6[%swap3A_764, %swap3A_765] {strides = array<i32>} : memref<128x16xf32, #tpu.memory_space<vmem>>, vector<1x16xf32>,
    %swap3A_767 = vector.shape_cast %swap3A_766 : vector<1x16xf32> to vector<16xf32>
    %swap3A_768 = vector.shape_cast %broadcast_in_dim3A_1 : vector<16xf32> to vector<1x16xf32>
    tpu.vector_store %arg6[%swap3A_764, %swap3A_765], %swap3A_768 {strides = array<i32>} : memref<128x16xf32, #tpu.memory_space<vmem>>, vector<1x16xf32>,
    %scan3A = arith.constant 0 : i32
    %scan3A_769 = arith.constant 0 : i32
    %scan3A_770 = arith.constant 32 : i32
    %scan3A_771 = arith.addi %scan3A_769, %scan3A_770 : i32
    %scan3A_772 = arith.constant 1 : i32
    scf.for %scan3A_774 = %scan3A_769 to %scan3A_771 step %scan3A_772  : i32 {
      %mul3A_775 = arith.constant 16 : i32
      %mul3A_776 = arith.muli %scan3A_774, %mul3A_775 : i32
      %get3A = arith.index_cast %mul3A_776 : i32 to index
      %get3A_777 = tpu.vector_load %arg7[%get3A] {strides = array<i32>} : memref<512xi32, #tpu.memory_space<vmem>>, vector<16xi32>,
      %get3A_778 = vector.shape_cast %get3A_777 : vector<16xi32> to vector<16xi32>
      %slice3A = vector.extract_strided_slice %get3A_778 {offsets = [0], sizes = [1], strides = [1]} : vector<16xi32> to vector<1xi32>
      %squeeze3A = vector.extract %slice3A[0] : i32 from vector<1xi32>
      %add3A_779 = arith.constant 0 : i32
      %add3A_780 = arith.addi %mul3A_776, %add3A_779 : i32
      %get3A_781 = arith.index_cast %add3A_780 : i32 to index
      %get3A_782 = arith.constant 0 : index
      %get3A_783 = tpu.vector_load %arg5[%get3A_781, %get3A_782] {strides = array<i32>} : memref<512x16xf32, #tpu.memory_space<vmem>>, vector<1x16xf32>,
      %get3A_784 = vector.shape_cast %get3A_783 : vector<1x16xf32> to vector<16xf32>
      %swap3A_785 = arith.index_cast %squeeze3A : i32 to index
      %swap3A_786 = arith.constant 0 : index
      %swap3A_787 = tpu.vector_load %arg6[%swap3A_785, %swap3A_786] {strides = array<i32>} : memref<128x16xf32, #tpu.memory_space<vmem>>, vector<1x16xf32>,
      %swap3A_788 = vector.shape_cast %swap3A_787 : vector<1x16xf32> to vector<16xf32>
      %swap3A_789 = vector.shape_cast %get3A_784 : vector<16xf32> to vector<1x16xf32>
      tpu.vector_store %arg6[%swap3A_785, %swap3A_786], %swap3A_789 {add = true, strides = array<i32>} : memref<128x16xf32, #tpu.memory_space<vmem>>, vector<1x16xf32>,
      %slice3A_790 = vector.extract_strided_slice %get3A_778 {offsets = [1], sizes = [1], strides = [1]} : vector<16xi32> to vector<1xi32>
      %squeeze3A_791 = vector.extract %slice3A_790[0] : i32 from vector<1xi32>
      %add3A_792 = arith.constant 1 : i32
      %add3A_793 = arith.addi %mul3A_776, %add3A_792 : i32
      %get3A_794 = arith.index_cast %add3A_793 : i32 to index
      %get3A_795 = arith.constant 0 : index
      %get3A_796 = tpu.vector_load %arg5[%get3A_794, %get3A_795] {strides = array<i32>} : memref<512x16xf32, #tpu.memory_space<vmem>>, vector<1x16xf32>,
      %get3A_797 = vector.shape_cast %get3A_796 : vector<1x16xf32> to vector<16xf32>
      %swap3A_798 = arith.index_cast %squeeze3A_791 : i32 to index
      %swap3A_799 = arith.constant 0 : index
      %swap3A_800 = tpu.vector_load %arg6[%swap3A_798, %swap3A_799] {strides = array<i32>} : memref<128x16xf32, #tpu.memory_space<vmem>>, vector<1x16xf32>,
      %swap3A_801 = vector.shape_cast %swap3A_800 : vector<1x16xf32> to vector<16xf32>
      %swap3A_802 = vector.shape_cast %get3A_797 : vector<16xf32> to vector<1x16xf32>
      tpu.vector_store %arg6[%swap3A_798, %swap3A_799], %swap3A_802 {add = true, strides = array<i32>} : memref<128x16xf32, #tpu.memory_space<vmem>>, vector<1x16xf32>,
      %slice3A_803 = vector.extract_strided_slice %get3A_778 {offsets = [2], sizes = [1], strides = [1]} : vector<16xi32> to vector<1xi32>
      %squeeze3A_804 = vector.extract %slice3A_803[0] : i32 from vector<1xi32>
      %add3A_805 = arith.constant 2 : i32
      %add3A_806 = arith.addi %mul3A_776, %add3A_805 : i32
      %get3A_807 = arith.index_cast %add3A_806 : i32 to index
      %get3A_808 = arith.constant 0 : index
      %get3A_809 = tpu.vector_load %arg5[%get3A_807, %get3A_808] {strides = array<i32>} : memref<512x16xf32, #tpu.memory_space<vmem>>, vector<1x16xf32>,
      %get3A_810 = vector.shape_cast %get3A_809 : vector<1x16xf32> to vector<16xf32>
      %swap3A_811 = arith.index_cast %squeeze3A_804 : i32 to index
      %swap3A_812 = arith.constant 0 : index
      %swap3A_813 = tpu.vector_load %arg6[%swap3A_811, %swap3A_812] {strides = array<i32>} : memref<128x16xf32, #tpu.memory_space<vmem>>, vector<1x16xf32>,
      %swap3A_814 = vector.shape_cast %swap3A_813 : vector<1x16xf32> to vector<16xf32>
      %swap3A_815 = vector.shape_cast %get3A_810 : vector<16xf32> to vector<1x16xf32>
      tpu.vector_store %arg6[%swap3A_811, %swap3A_812], %swap3A_815 {add = true, strides = array<i32>} : memref<128x16xf32, #tpu.memory_space<vmem>>, vector<1x16xf32>,
      %slice3A_816 = vector.extract_strided_slice %get3A_778 {offsets = [3], sizes = [1], strides = [1]} : vector<16xi32> to vector<1xi32>
      %squeeze3A_817 = vector.extract %slice3A_816[0] : i32 from vector<1xi32>
      %add3A_818 = arith.constant 3 : i32
      %add3A_819 = arith.addi %mul3A_776, %add3A_818 : i32
      %get3A_820 = arith.index_cast %add3A_819 : i32 to index
      %get3A_821 = arith.constant 0 : index
      %get3A_822 = tpu.vector_load %arg5[%get3A_820, %get3A_821] {strides = array<i32>} : memref<512x16xf32, #tpu.memory_space<vmem>>, vector<1x16xf32>,
      %get3A_823 = vector.shape_cast %get3A_822 : vector<1x16xf32> to vector<16xf32>
      %swap3A_824 = arith.index_cast %squeeze3A_817 : i32 to index
      %swap3A_825 = arith.constant 0 : index
      %swap3A_826 = tpu.vector_load %arg6[%swap3A_824, %swap3A_825] {strides = array<i32>} : memref<128x16xf32, #tpu.memory_space<vmem>>, vector<1x16xf32>,
      %swap3A_827 = vector.shape_cast %swap3A_826 : vector<1x16xf32> to vector<16xf32>
      %swap3A_828 = vector.shape_cast %get3A_823 : vector<16xf32> to vector<1x16xf32>
      tpu.vector_store %arg6[%swap3A_824, %swap3A_825], %swap3A_828 {add = true, strides = array<i32>} : memref<128x16xf32, #tpu.memory_space<vmem>>, vector<1x16xf32>,
      %slice3A_829 = vector.extract_strided_slice %get3A_778 {offsets = [4], sizes = [1], strides = [1]} : vector<16xi32> to vector<1xi32>
      %squeeze3A_830 = vector.extract %slice3A_829[0] : i32 from vector<1xi32>
      %add3A_831 = arith.constant 4 : i32
      %add3A_832 = arith.addi %mul3A_776, %add3A_831 : i32
      %get3A_833 = arith.index_cast %add3A_832 : i32 to index
      %get3A_834 = arith.constant 0 : index
      %get3A_835 = tpu.vector_load %arg5[%get3A_833, %get3A_834] {strides = array<i32>} : memref<512x16xf32, #tpu.memory_space<vmem>>, vector<1x16xf32>,
      %get3A_836 = vector.shape_cast %get3A_835 : vector<1x16xf32> to vector<16xf32>
      %swap3A_837 = arith.index_cast %squeeze3A_830 : i32 to index
      %swap3A_838 = arith.constant 0 : index
      %swap3A_839 = tpu.vector_load %arg6[%swap3A_837, %swap3A_838] {strides = array<i32>} : memref<128x16xf32, #tpu.memory_space<vmem>>, vector<1x16xf32>,
      %swap3A_840 = vector.shape_cast %swap3A_839 : vector<1x16xf32> to vector<16xf32>
      %swap3A_841 = vector.shape_cast %get3A_836 : vector<16xf32> to vector<1x16xf32>
      tpu.vector_store %arg6[%swap3A_837, %swap3A_838], %swap3A_841 {add = true, strides = array<i32>} : memref<128x16xf32, #tpu.memory_space<vmem>>, vector<1x16xf32>,
      %slice3A_842 = vector.extract_strided_slice %get3A_778 {offsets = [5], sizes = [1], strides = [1]} : vector<16xi32> to vector<1xi32>
      %squeeze3A_843 = vector.extract %slice3A_842[0] : i32 from vector<1xi32>
      %add3A_844 = arith.constant 5 : i32
      %add3A_845 = arith.addi %mul3A_776, %add3A_844 : i32
      %get3A_846 = arith.index_cast %add3A_845 : i32 to index
      %get3A_847 = arith.constant 0 : index
      %get3A_848 = tpu.vector_load %arg5[%get3A_846, %get3A_847] {strides = array<i32>} : memref<512x16xf32, #tpu.memory_space<vmem>>, vector<1x16xf32>,
      %get3A_849 = vector.shape_cast %get3A_848 : vector<1x16xf32> to vector<16xf32>
      %swap3A_850 = arith.index_cast %squeeze3A_843 : i32 to index
      %swap3A_851 = arith.constant 0 : index
      %swap3A_852 = tpu.vector_load %arg6[%swap3A_850, %swap3A_851] {strides = array<i32>} : memref<128x16xf32, #tpu.memory_space<vmem>>, vector<1x16xf32>,
      %swap3A_853 = vector.shape_cast %swap3A_852 : vector<1x16xf32> to vector<16xf32>
      %swap3A_854 = vector.shape_cast %get3A_849 : vector<16xf32> to vector<1x16xf32>
      tpu.vector_store %arg6[%swap3A_850, %swap3A_851], %swap3A_854 {add = true, strides = array<i32>} : memref<128x16xf32, #tpu.memory_space<vmem>>, vector<1x16xf32>,
      %slice3A_855 = vector.extract_strided_slice %get3A_778 {offsets = [6], sizes = [1], strides = [1]} : vector<16xi32> to vector<1xi32>
      %squeeze3A_856 = vector.extract %slice3A_855[0] : i32 from vector<1xi32>
      %add3A_857 = arith.constant 6 : i32
      %add3A_858 = arith.addi %mul3A_776, %add3A_857 : i32
      %get3A_859 = arith.index_cast %add3A_858 : i32 to index
      %get3A_860 = arith.constant 0 : index
      %get3A_861 = tpu.vector_load %arg5[%get3A_859, %get3A_860] {strides = array<i32>} : memref<512x16xf32, #tpu.memory_space<vmem>>, vector<1x16xf32>,
      %get3A_862 = vector.shape_cast %get3A_861 : vector<1x16xf32> to vector<16xf32>
      %swap3A_863 = arith.index_cast %squeeze3A_856 : i32 to index
      %swap3A_864 = arith.constant 0 : index
      %swap3A_865 = tpu.vector_load %arg6[%swap3A_863, %swap3A_864] {strides = array<i32>} : memref<128x16xf32, #tpu.memory_space<vmem>>, vector<1x16xf32>,
      %swap3A_866 = vector.shape_cast %swap3A_865 : vector<1x16xf32> to vector<16xf32>
      %swap3A_867 = vector.shape_cast %get3A_862 : vector<16xf32> to vector<1x16xf32>
      tpu.vector_store %arg6[%swap3A_863, %swap3A_864], %swap3A_867 {add = true, strides = array<i32>} : memref<128x16xf32, #tpu.memory_space<vmem>>, vector<1x16xf32>,
      %slice3A_868 = vector.extract_strided_slice %get3A_778 {offsets = [7], sizes = [1], strides = [1]} : vector<16xi32> to vector<1xi32>
      %squeeze3A_869 = vector.extract %slice3A_868[0] : i32 from vector<1xi32>
      %add3A_870 = arith.constant 7 : i32
      %add3A_871 = arith.addi %mul3A_776, %add3A_870 : i32
      %get3A_872 = arith.index_cast %add3A_871 : i32 to index
      %get3A_873 = arith.constant 0 : index
      %get3A_874 = tpu.vector_load %arg5[%get3A_872, %get3A_873] {strides = array<i32>} : memref<512x16xf32, #tpu.memory_space<vmem>>, vector<1x16xf32>,
      %get3A_875 = vector.shape_cast %get3A_874 : vector<1x16xf32> to vector<16xf32>
      %swap3A_876 = arith.index_cast %squeeze3A_869 : i32 to index
      %swap3A_877 = arith.constant 0 : index
      %swap3A_878 = tpu.vector_load %arg6[%swap3A_876, %swap3A_877] {strides = array<i32>} : memref<128x16xf32, #tpu.memory_space<vmem>>, vector<1x16xf32>,
      %swap3A_879 = vector.shape_cast %swap3A_878 : vector<1x16xf32> to vector<16xf32>
      %swap3A_880 = vector.shape_cast %get3A_875 : vector<16xf32> to vector<1x16xf32>
      tpu.vector_store %arg6[%swap3A_876, %swap3A_877], %swap3A_880 {add = true, strides = array<i32>} : memref<128x16xf32, #tpu.memory_space<vmem>>, vector<1x16xf32>,
      %slice3A_881 = vector.extract_strided_slice %get3A_778 {offsets = [8], sizes = [1], strides = [1]} : vector<16xi32> to vector<1xi32>
      %squeeze3A_882 = vector.extract %slice3A_881[0] : i32 from vector<1xi32>
      %add3A_883 = arith.constant 8 : i32
      %add3A_884 = arith.addi %mul3A_776, %add3A_883 : i32
      %get3A_885 = arith.index_cast %add3A_884 : i32 to index
      %get3A_886 = arith.constant 0 : index
      %get3A_887 = tpu.vector_load %arg5[%get3A_885, %get3A_886] {strides = array<i32>} : memref<512x16xf32, #tpu.memory_space<vmem>>, vector<1x16xf32>,
      %get3A_888 = vector.shape_cast %get3A_887 : vector<1x16xf32> to vector<16xf32>
      %swap3A_889 = arith.index_cast %squeeze3A_882 : i32 to index
      %swap3A_890 = arith.constant 0 : index
      %swap3A_891 = tpu.vector_load %arg6[%swap3A_889, %swap3A_890] {strides = array<i32>} : memref<128x16xf32, #tpu.memory_space<vmem>>, vector<1x16xf32>,
      %swap3A_892 = vector.shape_cast %swap3A_891 : vector<1x16xf32> to vector<16xf32>
      %swap3A_893 = vector.shape_cast %get3A_888 : vector<16xf32> to vector<1x16xf32>
      tpu.vector_store %arg6[%swap3A_889, %swap3A_890], %swap3A_893 {add = true, strides = array<i32>} : memref<128x16xf32, #tpu.memory_space<vmem>>, vector<1x16xf32>,
      %slice3A_894 = vector.extract_strided_slice %get3A_778 {offsets = [9], sizes = [1], strides = [1]} : vector<16xi32> to vector<1xi32>
      %squeeze3A_895 = vector.extract %slice3A_894[0] : i32 from vector<1xi32>
      %add3A_896 = arith.constant 9 : i32
      %add3A_897 = arith.addi %mul3A_776, %add3A_896 : i32
      %get3A_898 = arith.index_cast %add3A_897 : i32 to index
      %get3A_899 = arith.constant 0 : index
      %get3A_900 = tpu.vector_load %arg5[%get3A_898, %get3A_899] {strides = array<i32>} : memref<512x16xf32, #tpu.memory_space<vmem>>, vector<1x16xf32>,
      %get3A_901 = vector.shape_cast %get3A_900 : vector<1x16xf32> to vector<16xf32>
      %swap3A_902 = arith.index_cast %squeeze3A_895 : i32 to index
      %swap3A_903 = arith.constant 0 : index
      %swap3A_904 = tpu.vector_load %arg6[%swap3A_902, %swap3A_903] {strides = array<i32>} : memref<128x16xf32, #tpu.memory_space<vmem>>, vector<1x16xf32>,
      %swap3A_905 = vector.shape_cast %swap3A_904 : vector<1x16xf32> to vector<16xf32>
      %swap3A_906 = vector.shape_cast %get3A_901 : vector<16xf32> to vector<1x16xf32>
      tpu.vector_store %arg6[%swap3A_902, %swap3A_903], %swap3A_906 {add = true, strides = array<i32>} : memref<128x16xf32, #tpu.memory_space<vmem>>, vector<1x16xf32>,
      %slice3A_907 = vector.extract_strided_slice %get3A_778 {offsets = [10], sizes = [1], strides = [1]} : vector<16xi32> to vector<1xi32>
      %squeeze3A_908 = vector.extract %slice3A_907[0] : i32 from vector<1xi32>
      %add3A_909 = arith.constant 10 : i32
      %add3A_910 = arith.addi %mul3A_776, %add3A_909 : i32
      %get3A_911 = arith.index_cast %add3A_910 : i32 to index
      %get3A_912 = arith.constant 0 : index
      %get3A_913 = tpu.vector_load %arg5[%get3A_911, %get3A_912] {strides = array<i32>} : memref<512x16xf32, #tpu.memory_space<vmem>>, vector<1x16xf32>,
      %get3A_914 = vector.shape_cast %get3A_913 : vector<1x16xf32> to vector<16xf32>
      %swap3A_915 = arith.index_cast %squeeze3A_908 : i32 to index
      %swap3A_916 = arith.constant 0 : index
      %swap3A_917 = tpu.vector_load %arg6[%swap3A_915, %swap3A_916] {strides = array<i32>} : memref<128x16xf32, #tpu.memory_space<vmem>>, vector<1x16xf32>,
      %swap3A_918 = vector.shape_cast %swap3A_917 : vector<1x16xf32> to vector<16xf32>
      %swap3A_919 = vector.shape_cast %get3A_914 : vector<16xf32> to vector<1x16xf32>
      tpu.vector_store %arg6[%swap3A_915, %swap3A_916], %swap3A_919 {add = true, strides = array<i32>} : memref<128x16xf32, #tpu.memory_space<vmem>>, vector<1x16xf32>,
      %slice3A_920 = vector.extract_strided_slice %get3A_778 {offsets = [11], sizes = [1], strides = [1]} : vector<16xi32> to vector<1xi32>
      %squeeze3A_921 = vector.extract %slice3A_920[0] : i32 from vector<1xi32>
      %add3A_922 = arith.constant 11 : i32
      %add3A_923 = arith.addi %mul3A_776, %add3A_922 : i32
      %get3A_924 = arith.index_cast %add3A_923 : i32 to index
      %get3A_925 = arith.constant 0 : index
      %get3A_926 = tpu.vector_load %arg5[%get3A_924, %get3A_925] {strides = array<i32>} : memref<512x16xf32, #tpu.memory_space<vmem>>, vector<1x16xf32>,
      %get3A_927 = vector.shape_cast %get3A_926 : vector<1x16xf32> to vector<16xf32>
      %swap3A_928 = arith.index_cast %squeeze3A_921 : i32 to index
      %swap3A_929 = arith.constant 0 : index
      %swap3A_930 = tpu.vector_load %arg6[%swap3A_928, %swap3A_929] {strides = array<i32>} : memref<128x16xf32, #tpu.memory_space<vmem>>, vector<1x16xf32>,
      %swap3A_931 = vector.shape_cast %swap3A_930 : vector<1x16xf32> to vector<16xf32>
      %swap3A_932 = vector.shape_cast %get3A_927 : vector<16xf32> to vector<1x16xf32>
      tpu.vector_store %arg6[%swap3A_928, %swap3A_929], %swap3A_932 {add = true, strides = array<i32>} : memref<128x16xf32, #tpu.memory_space<vmem>>, vector<1x16xf32>,
      %slice3A_933 = vector.extract_strided_slice %get3A_778 {offsets = [12], sizes = [1], strides = [1]} : vector<16xi32> to vector<1xi32>
      %squeeze3A_934 = vector.extract %slice3A_933[0] : i32 from vector<1xi32>
      %add3A_935 = arith.constant 12 : i32
      %add3A_936 = arith.addi %mul3A_776, %add3A_935 : i32
      %get3A_937 = arith.index_cast %add3A_936 : i32 to index
      %get3A_938 = arith.constant 0 : index
      %get3A_939 = tpu.vector_load %arg5[%get3A_937, %get3A_938] {strides = array<i32>} : memref<512x16xf32, #tpu.memory_space<vmem>>, vector<1x16xf32>,
      %get3A_940 = vector.shape_cast %get3A_939 : vector<1x16xf32> to vector<16xf32>
      %swap3A_941 = arith.index_cast %squeeze3A_934 : i32 to index
      %swap3A_942 = arith.constant 0 : index
      %swap3A_943 = tpu.vector_load %arg6[%swap3A_941, %swap3A_942] {strides = array<i32>} : memref<128x16xf32, #tpu.memory_space<vmem>>, vector<1x16xf32>,
      %swap3A_944 = vector.shape_cast %swap3A_943 : vector<1x16xf32> to vector<16xf32>
      %swap3A_945 = vector.shape_cast %get3A_940 : vector<16xf32> to vector<1x16xf32>
      tpu.vector_store %arg6[%swap3A_941, %swap3A_942], %swap3A_945 {add = true, strides = array<i32>} : memref<128x16xf32, #tpu.memory_space<vmem>>, vector<1x16xf32>,
      %slice3A_946 = vector.extract_strided_slice %get3A_778 {offsets = [13], sizes = [1], strides = [1]} : vector<16xi32> to vector<1xi32>
      %squeeze3A_947 = vector.extract %slice3A_946[0] : i32 from vector<1xi32>
      %add3A_948 = arith.constant 13 : i32
      %add3A_949 = arith.addi %mul3A_776, %add3A_948 : i32
      %get3A_950 = arith.index_cast %add3A_949 : i32 to index
      %get3A_951 = arith.constant 0 : index
      %get3A_952 = tpu.vector_load %arg5[%get3A_950, %get3A_951] {strides = array<i32>} : memref<512x16xf32, #tpu.memory_space<vmem>>, vector<1x16xf32>,
      %get3A_953 = vector.shape_cast %get3A_952 : vector<1x16xf32> to vector<16xf32>
      %swap3A_954 = arith.index_cast %squeeze3A_947 : i32 to index
      %swap3A_955 = arith.constant 0 : index
      %swap3A_956 = tpu.vector_load %arg6[%swap3A_954, %swap3A_955] {strides = array<i32>} : memref<128x16xf32, #tpu.memory_space<vmem>>, vector<1x16xf32>,
      %swap3A_957 = vector.shape_cast %swap3A_956 : vector<1x16xf32> to vector<16xf32>
      %swap3A_958 = vector.shape_cast %get3A_953 : vector<16xf32> to vector<1x16xf32>
      tpu.vector_store %arg6[%swap3A_954, %swap3A_955], %swap3A_958 {add = true, strides = array<i32>} : memref<128x16xf32, #tpu.memory_space<vmem>>, vector<1x16xf32>,
      %slice3A_959 = vector.extract_strided_slice %get3A_778 {offsets = [14], sizes = [1], strides = [1]} : vector<16xi32> to vector<1xi32>
      %squeeze3A_960 = vector.extract %slice3A_959[0] : i32 from vector<1xi32>
      %add3A_961 = arith.constant 14 : i32
      %add3A_962 = arith.addi %mul3A_776, %add3A_961 : i32
      %get3A_963 = arith.index_cast %add3A_962 : i32 to index
      %get3A_964 = arith.constant 0 : index
      %get3A_965 = tpu.vector_load %arg5[%get3A_963, %get3A_964] {strides = array<i32>} : memref<512x16xf32, #tpu.memory_space<vmem>>, vector<1x16xf32>,
      %get3A_966 = vector.shape_cast %get3A_965 : vector<1x16xf32> to vector<16xf32>
      %swap3A_967 = arith.index_cast %squeeze3A_960 : i32 to index
      %swap3A_968 = arith.constant 0 : index
      %swap3A_969 = tpu.vector_load %arg6[%swap3A_967, %swap3A_968] {strides = array<i32>} : memref<128x16xf32, #tpu.memory_space<vmem>>, vector<1x16xf32>,
      %swap3A_970 = vector.shape_cast %swap3A_969 : vector<1x16xf32> to vector<16xf32>
      %swap3A_971 = vector.shape_cast %get3A_966 : vector<16xf32> to vector<1x16xf32>
      tpu.vector_store %arg6[%swap3A_967, %swap3A_968], %swap3A_971 {add = true, strides = array<i32>} : memref<128x16xf32, #tpu.memory_space<vmem>>, vector<1x16xf32>,
      %slice3A_972 = vector.extract_strided_slice %get3A_778 {offsets = [15], sizes = [1], strides = [1]} : vector<16xi32> to vector<1xi32>
      %squeeze3A_973 = vector.extract %slice3A_972[0] : i32 from vector<1xi32>
      %add3A_974 = arith.constant 15 : i32
      %add3A_975 = arith.addi %mul3A_776, %add3A_974 : i32
      %get3A_976 = arith.index_cast %add3A_975 : i32 to index
      %get3A_977 = arith.constant 0 : index
      %get3A_978 = tpu.vector_load %arg5[%get3A_976, %get3A_977] {strides = array<i32>} : memref<512x16xf32, #tpu.memory_space<vmem>>, vector<1x16xf32>,
      %get3A_979 = vector.shape_cast %get3A_978 : vector<1x16xf32> to vector<16xf32>
      %swap3A_980 = arith.index_cast %squeeze3A_973 : i32 to index
      %swap3A_981 = arith.constant 0 : index
      %swap3A_982 = tpu.vector_load %arg6[%swap3A_980, %swap3A_981] {strides = array<i32>} : memref<128x16xf32, #tpu.memory_space<vmem>>, vector<1x16xf32>,
      %swap3A_983 = vector.shape_cast %swap3A_982 : vector<1x16xf32> to vector<16xf32>
      %swap3A_984 = vector.shape_cast %get3A_979 : vector<16xf32> to vector<1x16xf32>
      tpu.vector_store %arg6[%swap3A_980, %swap3A_981], %swap3A_984 {add = true, strides = array<i32>} : memref<128x16xf32, #tpu.memory_space<vmem>>, vector<1x16xf32>,
    }
    %scan3A_773 = arith.constant 32 : i32
    "tpu.region"() ({
      %run_scoped3A = tpu.sem_alloc : memref<!tpu.dma_semaphore, #tpu.memory_space<semaphore_mem>>
      %dma_start3A = arith.constant 0 : i32
      %dma_start3A_774 = arith.constant 0 : i32
      %dma_start3A_775 = tpu.memref_slice %arg4[%add3A, %dma_start3A, %dma_start3A_774] : memref<32x128x16xf32, #tpu.memory_space<hbm>> -> memref<1x128x16xf32, #tpu.memory_space<hbm>>
      %dma_start3A_776 = tpu.memref_squeeze %dma_start3A_775 : memref<1x128x16xf32, #tpu.memory_space<hbm>> -> memref<128x16xf32, #tpu.memory_space<hbm>>
      %dma_start3A_777 = arith.constant 0 : i32
      %dma_start3A_778 = arith.constant 0 : i32
      %dma_start3A_779 = tpu.memref_slice %arg4[%add3A, %dma_start3A_777, %dma_start3A_778] : memref<32x128x16xf32, #tpu.memory_space<hbm>> -> memref<1x128x16xf32, #tpu.memory_space<hbm>>
      %dma_start3A_780 = tpu.memref_squeeze %dma_start3A_779 : memref<1x128x16xf32, #tpu.memory_space<hbm>> -> memref<128x16xf32, #tpu.memory_space<hbm>>
      tpu.enqueue_dma source(%arg6 : memref<128x16xf32, #tpu.memory_space<vmem>>) target(%dma_start3A_780 : memref<128x16xf32, #tpu.memory_space<hbm>>) target_semaphore(%run_scoped3A : memref<!tpu.dma_semaphore, #tpu.memory_space<semaphore_mem>>)
      %dma_wait3A = arith.constant 0 : i32
      %dma_wait3A_781 = arith.constant 0 : i32
      %dma_wait3A_782 = tpu.memref_slice %arg4[%add3A, %dma_wait3A, %dma_wait3A_781] : memref<32x128x16xf32, #tpu.memory_space<hbm>> -> memref<1x128x16xf32, #tpu.memory_space<hbm>>
      %dma_wait3A_783 = tpu.memref_squeeze %dma_wait3A_782 : memref<1x128x16xf32, #tpu.memory_space<hbm>> -> memref<128x16xf32, #tpu.memory_space<hbm>>
      %dma_wait3A_784 = arith.constant 0 : i32
      %dma_wait3A_785 = arith.constant 0 : i32
      %dma_wait3A_786 = tpu.memref_slice %arg4[%add3A, %dma_wait3A_784, %dma_wait3A_785] : memref<32x128x16xf32, #tpu.memory_space<hbm>> -> memref<1x128x16xf32, #tpu.memory_space<hbm>>
      %dma_wait3A_787 = tpu.memref_squeeze %dma_wait3A_786 : memref<1x128x16xf32, #tpu.memory_space<hbm>> -> memref<128x16xf32, #tpu.memory_space<hbm>>
      tpu.wait_dma2 semaphore(%run_scoped3A : memref<!tpu.dma_semaphore, #tpu.memory_space<semaphore_mem>>) src(%arg6 : memref<128x16xf32, #tpu.memory_space<vmem>>) dst(%dma_wait3A_787 : memref<128x16xf32, #tpu.memory_space<hbm>>)
      tpu.yield
    }) : () -> ()
    return
  }
}

module attributes {stable_mosaic.version = 14 : i64} {
  func.func @_tc_body(%arg0: i32, %arg1: memref<3x2048xf32, #tpu.memory_space<vmem>>, %arg2: memref<1x2048xi32, #tpu.memory_space<vmem>>, %arg3: memref<32x128x16xf32, #tpu.memory_space<vmem>>, %arg4: memref<1x1xf32, #tpu.memory_space<smem>>, %arg5: memref<128x8xf32, #tpu.memory_space<vmem>>, %arg6: memref<128x128xf32, #tpu.memory_space<vmem>>) attributes {dimension_semantics = [#tpu.dimension_semantics<arbitrary>], iteration_bounds = array<i64: 8>, scalar_prefetch = 0 : i64, scratch_operands = 2 : i64, tpu.core_type = #tpu.core_type<tc>, window_params = [{transform_indices = @transform_0, window_bounds = array<i64: 3, 2048>}, {transform_indices = @transform_1, window_bounds = array<i64: 1, 2048>}, {pipeline_mode = #tpu.pipeline_mode<synchronous>, transform_indices = @transform_2, window_bounds = array<i64: 32, 128, 16>}, {transform_indices = @transform_3, window_bounds = array<i64: 1, 1>}]} {
    %eq3A = arith.constant 0 : i32
    %eq3A_0 = arith.cmpi eq, %arg0, %eq3A : i32
    %convert_element_type3A = arith.extui %eq3A_0 : i1 to i32
    %cond3A = arith.constant 0 : i32
    %cond3A_1 = arith.cmpi ne, %convert_element_type3A, %cond3A : i32
    scf.if %cond3A_1 {
      %broadcast_in_dim3A_62 = arith.constant 0.000000e+00 : f32
      %broadcast_in_dim3A_63 = vector.broadcast %broadcast_in_dim3A_62 : f32 to vector<128x128xf32>
      %swap3A_64 = arith.constant 0 : index
      %swap3A_65 = arith.constant 0 : index
      %swap3A_66 = vector.load %arg6[%swap3A_64, %swap3A_65] : memref<128x128xf32, #tpu.memory_space<vmem>>, vector<128x128xf32>
      tpu.vector_store %arg6[%swap3A_64, %swap3A_65], %broadcast_in_dim3A_63 {strides = array<i32>} : memref<128x128xf32, #tpu.memory_space<vmem>>, vector<128x128xf32>,
      %get3A_67 = arith.constant 0 : index
      %get3A_68 = arith.constant 0 : index
      %get3A_69 = arith.constant 0 : index
      %get3A_70 = vector.load %arg3[%get3A_67, %get3A_68, %get3A_69] : memref<32x128x16xf32, #tpu.memory_space<vmem>>, vector<1x128x16xf32>
      %get3A_71 = vector.shape_cast %get3A_70 : vector<1x128x16xf32> to vector<128x16xf32>
      %get3A_72 = arith.constant 1 : index
      %get3A_73 = arith.constant 0 : index
      %get3A_74 = arith.constant 0 : index
      %get3A_75 = vector.load %arg3[%get3A_72, %get3A_73, %get3A_74] : memref<32x128x16xf32, #tpu.memory_space<vmem>>, vector<1x128x16xf32>
      %get3A_76 = vector.shape_cast %get3A_75 : vector<1x128x16xf32> to vector<128x16xf32>
      %add3A_77 = arith.addf %get3A_71, %get3A_76 : vector<128x16xf32>
      %get3A_78 = arith.constant 2 : index
      %get3A_79 = arith.constant 0 : index
      %get3A_80 = arith.constant 0 : index
      %get3A_81 = vector.load %arg3[%get3A_78, %get3A_79, %get3A_80] : memref<32x128x16xf32, #tpu.memory_space<vmem>>, vector<1x128x16xf32>
      %get3A_82 = vector.shape_cast %get3A_81 : vector<1x128x16xf32> to vector<128x16xf32>
      %add3A_83 = arith.addf %add3A_77, %get3A_82 : vector<128x16xf32>
      %get3A_84 = arith.constant 3 : index
      %get3A_85 = arith.constant 0 : index
      %get3A_86 = arith.constant 0 : index
      %get3A_87 = vector.load %arg3[%get3A_84, %get3A_85, %get3A_86] : memref<32x128x16xf32, #tpu.memory_space<vmem>>, vector<1x128x16xf32>
      %get3A_88 = vector.shape_cast %get3A_87 : vector<1x128x16xf32> to vector<128x16xf32>
      %add3A_89 = arith.addf %add3A_83, %get3A_88 : vector<128x16xf32>
      %get3A_90 = arith.constant 4 : index
      %get3A_91 = arith.constant 0 : index
      %get3A_92 = arith.constant 0 : index
      %get3A_93 = vector.load %arg3[%get3A_90, %get3A_91, %get3A_92] : memref<32x128x16xf32, #tpu.memory_space<vmem>>, vector<1x128x16xf32>
      %get3A_94 = vector.shape_cast %get3A_93 : vector<1x128x16xf32> to vector<128x16xf32>
      %add3A_95 = arith.addf %add3A_89, %get3A_94 : vector<128x16xf32>
      %get3A_96 = arith.constant 5 : index
      %get3A_97 = arith.constant 0 : index
      %get3A_98 = arith.constant 0 : index
      %get3A_99 = vector.load %arg3[%get3A_96, %get3A_97, %get3A_98] : memref<32x128x16xf32, #tpu.memory_space<vmem>>, vector<1x128x16xf32>
      %get3A_100 = vector.shape_cast %get3A_99 : vector<1x128x16xf32> to vector<128x16xf32>
      %add3A_101 = arith.addf %add3A_95, %get3A_100 : vector<128x16xf32>
      %get3A_102 = arith.constant 6 : index
      %get3A_103 = arith.constant 0 : index
      %get3A_104 = arith.constant 0 : index
      %get3A_105 = vector.load %arg3[%get3A_102, %get3A_103, %get3A_104] : memref<32x128x16xf32, #tpu.memory_space<vmem>>, vector<1x128x16xf32>
      %get3A_106 = vector.shape_cast %get3A_105 : vector<1x128x16xf32> to vector<128x16xf32>
      %add3A_107 = arith.addf %add3A_101, %get3A_106 : vector<128x16xf32>
      %get3A_108 = arith.constant 7 : index
      %get3A_109 = arith.constant 0 : index
      %get3A_110 = arith.constant 0 : index
      %get3A_111 = vector.load %arg3[%get3A_108, %get3A_109, %get3A_110] : memref<32x128x16xf32, #tpu.memory_space<vmem>>, vector<1x128x16xf32>
      %get3A_112 = vector.shape_cast %get3A_111 : vector<1x128x16xf32> to vector<128x16xf32>
      %add3A_113 = arith.addf %add3A_107, %get3A_112 : vector<128x16xf32>
      %get3A_114 = arith.constant 8 : index
      %get3A_115 = arith.constant 0 : index
      %get3A_116 = arith.constant 0 : index
      %get3A_117 = vector.load %arg3[%get3A_114, %get3A_115, %get3A_116] : memref<32x128x16xf32, #tpu.memory_space<vmem>>, vector<1x128x16xf32>
      %get3A_118 = vector.shape_cast %get3A_117 : vector<1x128x16xf32> to vector<128x16xf32>
      %add3A_119 = arith.addf %add3A_113, %get3A_118 : vector<128x16xf32>
      %get3A_120 = arith.constant 9 : index
      %get3A_121 = arith.constant 0 : index
      %get3A_122 = arith.constant 0 : index
      %get3A_123 = vector.load %arg3[%get3A_120, %get3A_121, %get3A_122] : memref<32x128x16xf32, #tpu.memory_space<vmem>>, vector<1x128x16xf32>
      %get3A_124 = vector.shape_cast %get3A_123 : vector<1x128x16xf32> to vector<128x16xf32>
      %add3A_125 = arith.addf %add3A_119, %get3A_124 : vector<128x16xf32>
      %get3A_126 = arith.constant 10 : index
      %get3A_127 = arith.constant 0 : index
      %get3A_128 = arith.constant 0 : index
      %get3A_129 = vector.load %arg3[%get3A_126, %get3A_127, %get3A_128] : memref<32x128x16xf32, #tpu.memory_space<vmem>>, vector<1x128x16xf32>
      %get3A_130 = vector.shape_cast %get3A_129 : vector<1x128x16xf32> to vector<128x16xf32>
      %add3A_131 = arith.addf %add3A_125, %get3A_130 : vector<128x16xf32>
      %get3A_132 = arith.constant 11 : index
      %get3A_133 = arith.constant 0 : index
      %get3A_134 = arith.constant 0 : index
      %get3A_135 = vector.load %arg3[%get3A_132, %get3A_133, %get3A_134] : memref<32x128x16xf32, #tpu.memory_space<vmem>>, vector<1x128x16xf32>
      %get3A_136 = vector.shape_cast %get3A_135 : vector<1x128x16xf32> to vector<128x16xf32>
      %add3A_137 = arith.addf %add3A_131, %get3A_136 : vector<128x16xf32>
      %get3A_138 = arith.constant 12 : index
      %get3A_139 = arith.constant 0 : index
      %get3A_140 = arith.constant 0 : index
      %get3A_141 = vector.load %arg3[%get3A_138, %get3A_139, %get3A_140] : memref<32x128x16xf32, #tpu.memory_space<vmem>>, vector<1x128x16xf32>
      %get3A_142 = vector.shape_cast %get3A_141 : vector<1x128x16xf32> to vector<128x16xf32>
      %add3A_143 = arith.addf %add3A_137, %get3A_142 : vector<128x16xf32>
      %get3A_144 = arith.constant 13 : index
      %get3A_145 = arith.constant 0 : index
      %get3A_146 = arith.constant 0 : index
      %get3A_147 = vector.load %arg3[%get3A_144, %get3A_145, %get3A_146] : memref<32x128x16xf32, #tpu.memory_space<vmem>>, vector<1x128x16xf32>
      %get3A_148 = vector.shape_cast %get3A_147 : vector<1x128x16xf32> to vector<128x16xf32>
      %add3A_149 = arith.addf %add3A_143, %get3A_148 : vector<128x16xf32>
      %get3A_150 = arith.constant 14 : index
      %get3A_151 = arith.constant 0 : index
      %get3A_152 = arith.constant 0 : index
      %get3A_153 = vector.load %arg3[%get3A_150, %get3A_151, %get3A_152] : memref<32x128x16xf32, #tpu.memory_space<vmem>>, vector<1x128x16xf32>
      %get3A_154 = vector.shape_cast %get3A_153 : vector<1x128x16xf32> to vector<128x16xf32>
      %add3A_155 = arith.addf %add3A_149, %get3A_154 : vector<128x16xf32>
      %get3A_156 = arith.constant 15 : index
      %get3A_157 = arith.constant 0 : index
      %get3A_158 = arith.constant 0 : index
      %get3A_159 = vector.load %arg3[%get3A_156, %get3A_157, %get3A_158] : memref<32x128x16xf32, #tpu.memory_space<vmem>>, vector<1x128x16xf32>
      %get3A_160 = vector.shape_cast %get3A_159 : vector<1x128x16xf32> to vector<128x16xf32>
      %add3A_161 = arith.addf %add3A_155, %get3A_160 : vector<128x16xf32>
      %get3A_162 = arith.constant 16 : index
      %get3A_163 = arith.constant 0 : index
      %get3A_164 = arith.constant 0 : index
      %get3A_165 = vector.load %arg3[%get3A_162, %get3A_163, %get3A_164] : memref<32x128x16xf32, #tpu.memory_space<vmem>>, vector<1x128x16xf32>
      %get3A_166 = vector.shape_cast %get3A_165 : vector<1x128x16xf32> to vector<128x16xf32>
      %add3A_167 = arith.addf %add3A_161, %get3A_166 : vector<128x16xf32>
      %get3A_168 = arith.constant 17 : index
      %get3A_169 = arith.constant 0 : index
      %get3A_170 = arith.constant 0 : index
      %get3A_171 = vector.load %arg3[%get3A_168, %get3A_169, %get3A_170] : memref<32x128x16xf32, #tpu.memory_space<vmem>>, vector<1x128x16xf32>
      %get3A_172 = vector.shape_cast %get3A_171 : vector<1x128x16xf32> to vector<128x16xf32>
      %add3A_173 = arith.addf %add3A_167, %get3A_172 : vector<128x16xf32>
      %get3A_174 = arith.constant 18 : index
      %get3A_175 = arith.constant 0 : index
      %get3A_176 = arith.constant 0 : index
      %get3A_177 = vector.load %arg3[%get3A_174, %get3A_175, %get3A_176] : memref<32x128x16xf32, #tpu.memory_space<vmem>>, vector<1x128x16xf32>
      %get3A_178 = vector.shape_cast %get3A_177 : vector<1x128x16xf32> to vector<128x16xf32>
      %add3A_179 = arith.addf %add3A_173, %get3A_178 : vector<128x16xf32>
      %get3A_180 = arith.constant 19 : index
      %get3A_181 = arith.constant 0 : index
      %get3A_182 = arith.constant 0 : index
      %get3A_183 = vector.load %arg3[%get3A_180, %get3A_181, %get3A_182] : memref<32x128x16xf32, #tpu.memory_space<vmem>>, vector<1x128x16xf32>
      %get3A_184 = vector.shape_cast %get3A_183 : vector<1x128x16xf32> to vector<128x16xf32>
      %add3A_185 = arith.addf %add3A_179, %get3A_184 : vector<128x16xf32>
      %get3A_186 = arith.constant 20 : index
      %get3A_187 = arith.constant 0 : index
      %get3A_188 = arith.constant 0 : index
      %get3A_189 = vector.load %arg3[%get3A_186, %get3A_187, %get3A_188] : memref<32x128x16xf32, #tpu.memory_space<vmem>>, vector<1x128x16xf32>
      %get3A_190 = vector.shape_cast %get3A_189 : vector<1x128x16xf32> to vector<128x16xf32>
      %add3A_191 = arith.addf %add3A_185, %get3A_190 : vector<128x16xf32>
      %get3A_192 = arith.constant 21 : index
      %get3A_193 = arith.constant 0 : index
      %get3A_194 = arith.constant 0 : index
      %get3A_195 = vector.load %arg3[%get3A_192, %get3A_193, %get3A_194] : memref<32x128x16xf32, #tpu.memory_space<vmem>>, vector<1x128x16xf32>
      %get3A_196 = vector.shape_cast %get3A_195 : vector<1x128x16xf32> to vector<128x16xf32>
      %add3A_197 = arith.addf %add3A_191, %get3A_196 : vector<128x16xf32>
      %get3A_198 = arith.constant 22 : index
      %get3A_199 = arith.constant 0 : index
      %get3A_200 = arith.constant 0 : index
      %get3A_201 = vector.load %arg3[%get3A_198, %get3A_199, %get3A_200] : memref<32x128x16xf32, #tpu.memory_space<vmem>>, vector<1x128x16xf32>
      %get3A_202 = vector.shape_cast %get3A_201 : vector<1x128x16xf32> to vector<128x16xf32>
      %add3A_203 = arith.addf %add3A_197, %get3A_202 : vector<128x16xf32>
      %get3A_204 = arith.constant 23 : index
      %get3A_205 = arith.constant 0 : index
      %get3A_206 = arith.constant 0 : index
      %get3A_207 = vector.load %arg3[%get3A_204, %get3A_205, %get3A_206] : memref<32x128x16xf32, #tpu.memory_space<vmem>>, vector<1x128x16xf32>
      %get3A_208 = vector.shape_cast %get3A_207 : vector<1x128x16xf32> to vector<128x16xf32>
      %add3A_209 = arith.addf %add3A_203, %get3A_208 : vector<128x16xf32>
      %get3A_210 = arith.constant 24 : index
      %get3A_211 = arith.constant 0 : index
      %get3A_212 = arith.constant 0 : index
      %get3A_213 = vector.load %arg3[%get3A_210, %get3A_211, %get3A_212] : memref<32x128x16xf32, #tpu.memory_space<vmem>>, vector<1x128x16xf32>
      %get3A_214 = vector.shape_cast %get3A_213 : vector<1x128x16xf32> to vector<128x16xf32>
      %add3A_215 = arith.addf %add3A_209, %get3A_214 : vector<128x16xf32>
      %get3A_216 = arith.constant 25 : index
      %get3A_217 = arith.constant 0 : index
      %get3A_218 = arith.constant 0 : index
      %get3A_219 = vector.load %arg3[%get3A_216, %get3A_217, %get3A_218] : memref<32x128x16xf32, #tpu.memory_space<vmem>>, vector<1x128x16xf32>
      %get3A_220 = vector.shape_cast %get3A_219 : vector<1x128x16xf32> to vector<128x16xf32>
      %add3A_221 = arith.addf %add3A_215, %get3A_220 : vector<128x16xf32>
      %get3A_222 = arith.constant 26 : index
      %get3A_223 = arith.constant 0 : index
      %get3A_224 = arith.constant 0 : index
      %get3A_225 = vector.load %arg3[%get3A_222, %get3A_223, %get3A_224] : memref<32x128x16xf32, #tpu.memory_space<vmem>>, vector<1x128x16xf32>
      %get3A_226 = vector.shape_cast %get3A_225 : vector<1x128x16xf32> to vector<128x16xf32>
      %add3A_227 = arith.addf %add3A_221, %get3A_226 : vector<128x16xf32>
      %get3A_228 = arith.constant 27 : index
      %get3A_229 = arith.constant 0 : index
      %get3A_230 = arith.constant 0 : index
      %get3A_231 = vector.load %arg3[%get3A_228, %get3A_229, %get3A_230] : memref<32x128x16xf32, #tpu.memory_space<vmem>>, vector<1x128x16xf32>
      %get3A_232 = vector.shape_cast %get3A_231 : vector<1x128x16xf32> to vector<128x16xf32>
      %add3A_233 = arith.addf %add3A_227, %get3A_232 : vector<128x16xf32>
      %get3A_234 = arith.constant 28 : index
      %get3A_235 = arith.constant 0 : index
      %get3A_236 = arith.constant 0 : index
      %get3A_237 = vector.load %arg3[%get3A_234, %get3A_235, %get3A_236] : memref<32x128x16xf32, #tpu.memory_space<vmem>>, vector<1x128x16xf32>
      %get3A_238 = vector.shape_cast %get3A_237 : vector<1x128x16xf32> to vector<128x16xf32>
      %add3A_239 = arith.addf %add3A_233, %get3A_238 : vector<128x16xf32>
      %get3A_240 = arith.constant 29 : index
      %get3A_241 = arith.constant 0 : index
      %get3A_242 = arith.constant 0 : index
      %get3A_243 = vector.load %arg3[%get3A_240, %get3A_241, %get3A_242] : memref<32x128x16xf32, #tpu.memory_space<vmem>>, vector<1x128x16xf32>
      %get3A_244 = vector.shape_cast %get3A_243 : vector<1x128x16xf32> to vector<128x16xf32>
      %add3A_245 = arith.addf %add3A_239, %get3A_244 : vector<128x16xf32>
      %get3A_246 = arith.constant 30 : index
      %get3A_247 = arith.constant 0 : index
      %get3A_248 = arith.constant 0 : index
      %get3A_249 = vector.load %arg3[%get3A_246, %get3A_247, %get3A_248] : memref<32x128x16xf32, #tpu.memory_space<vmem>>, vector<1x128x16xf32>
      %get3A_250 = vector.shape_cast %get3A_249 : vector<1x128x16xf32> to vector<128x16xf32>
      %add3A_251 = arith.addf %add3A_245, %get3A_250 : vector<128x16xf32>
      %get3A_252 = arith.constant 31 : index
      %get3A_253 = arith.constant 0 : index
      %get3A_254 = arith.constant 0 : index
      %get3A_255 = vector.load %arg3[%get3A_252, %get3A_253, %get3A_254] : memref<32x128x16xf32, #tpu.memory_space<vmem>>, vector<1x128x16xf32>
      %get3A_256 = vector.shape_cast %get3A_255 : vector<1x128x16xf32> to vector<128x16xf32>
      %add3A_257 = arith.addf %add3A_251, %get3A_256 : vector<128x16xf32>
      %slice3A_258 = vector.extract_strided_slice %add3A_257 {offsets = [0, 3], sizes = [128, 1], strides = [1, 1]} : vector<128x16xf32> to vector<128x1xf32>
      %mul3A_259 = arith.constant 1.30173719 : f32
      %mul3A_260 = vector.broadcast %mul3A_259 : f32 to vector<128x1xf32>
      %mul3A_261 = arith.mulf %mul3A_260, %slice3A_258 : vector<128x1xf32>
      %add3A_262 = arith.constant 9.99999971E-10 : f32
      %add3A_263 = vector.broadcast %add3A_262 : f32 to vector<128x1xf32>
      %add3A_264 = arith.addf %mul3A_261, %add3A_263 : vector<128x1xf32>
      %div3A = arith.constant 1.30173719 : f32
      %div3A_265 = vector.broadcast %div3A : f32 to vector<128x1xf32>
      %div3A_266 = arith.divf %div3A_265, %add3A_264 : vector<128x1xf32>
      %slice3A_267 = vector.extract_strided_slice %add3A_257 {offsets = [0, 0], sizes = [128, 3], strides = [1, 1]} : vector<128x16xf32> to vector<128x3xf32>
      %mul3A_268 = vector.broadcast %div3A_266 : vector<128x1xf32> to vector<128x3xf32>
      %mul3A_269 = arith.mulf %slice3A_267, %mul3A_268 : vector<128x3xf32>
      %mul3A_270 = arith.mulf %mul3A_269, %mul3A_269 : vector<128x3xf32>
      %reduce_sum3A = arith.constant dense<0.000000e+00> : vector<128xf32>
      %reduce_sum3A_271 = vector.multi_reduction <add>, %mul3A_270, %reduce_sum3A [1] : vector<128x3xf32> to vector<128xf32>
      %broadcast_in_dim3A_272 = vector.shape_cast %reduce_sum3A_271 : vector<128xf32> to vector<128x1xf32>
      %add3A_273 = arith.constant 9.99999971E-10 : f32
      %add3A_274 = vector.broadcast %add3A_273 : f32 to vector<128x1xf32>
      %add3A_275 = arith.addf %broadcast_in_dim3A_272, %add3A_274 : vector<128x1xf32>
      %gt3A = arith.constant 0.000000e+00 : f32
      %gt3A_276 = vector.broadcast %gt3A : f32 to vector<128x1xf32>
      %gt3A_277 = arith.cmpf ogt, %slice3A_258, %gt3A_276 : vector<128x1xf32>
      %jit3A = arith.constant 0.000000e+00 : f32
      %jit3A_278 = arith.constant 1.000000e+06 : f32
      %broadcast_in_dim3A_279 = vector.broadcast %jit3A : f32 to vector<128x1xf32>
      %broadcast_in_dim3A_280 = vector.broadcast %jit3A_278 : f32 to vector<128x1xf32>
      %select_n3A_281 = arith.select %gt3A_277, %broadcast_in_dim3A_279, %broadcast_in_dim3A_280 : vector<128x1xi1>, vector<128x1xf32>
      %add3A_282 = arith.addf %add3A_275, %select_n3A_281 : vector<128x1xf32>
      %mul3A_283 = arith.constant -2.000000e+00 : f32
      %mul3A_284 = vector.broadcast %mul3A_283 : f32 to vector<128x3xf32>
      %mul3A_285 = arith.mulf %mul3A_284, %mul3A_269 : vector<128x3xf32>
      %broadcast_in_dim3A_286 = arith.constant 1.000000e+00 : f32
      %broadcast_in_dim3A_287 = vector.broadcast %broadcast_in_dim3A_286 : f32 to vector<128x3xf32>
      %broadcast_in_dim3A_288 = arith.constant 0.000000e+00 : f32
      %broadcast_in_dim3A_289 = vector.broadcast %broadcast_in_dim3A_288 : f32 to vector<128x1xf32>
      %concatenate3A_290 = tpu.concatenate %mul3A_285, %broadcast_in_dim3A_287, %add3A_282, %broadcast_in_dim3A_289 in 1 : vector<128x3xf32>, vector<128x3xf32>, vector<128x1xf32>, vector<128x1xf32> -> vector<128x8xf32>
      %swap3A_291 = arith.constant 0 : index
      %swap3A_292 = arith.constant 0 : index
      %swap3A_293 = vector.load %arg5[%swap3A_291, %swap3A_292] : memref<128x8xf32, #tpu.memory_space<vmem>>, vector<128x8xf32>
      tpu.vector_store %arg5[%swap3A_291, %swap3A_292], %concatenate3A_290 {strides = array<i32>} : memref<128x8xf32, #tpu.memory_space<vmem>>, vector<128x8xf32>,
    } else {
    }
    %get3A = arith.constant 0 : index
    %get3A_2 = arith.constant 0 : index
    %get3A_3 = vector.load %arg2[%get3A, %get3A_2] : memref<1x2048xi32, #tpu.memory_space<vmem>>, vector<1x2048xi32>
    %iota3A = tpu.iota {dimensions = array<i32: 0>} : vector<128x2048xi32>
    %eq3A_4 = vector.broadcast %get3A_3 : vector<1x2048xi32> to vector<128x2048xi32>
    %eq3A_5 = arith.cmpi eq, %iota3A, %eq3A_4 : vector<128x2048xi32>
    %get3A_6 = arith.constant 0 : index
    %get3A_7 = arith.constant 0 : index
    %get3A_8 = vector.load %arg1[%get3A_6, %get3A_7] : memref<3x2048xf32, #tpu.memory_space<vmem>>, vector<3x2048xf32>
    %mul3A = arith.mulf %get3A_8, %get3A_8 : vector<3x2048xf32>
    %broadcast_in_dim3A = arith.constant 1.000000e+00 : f32
    %broadcast_in_dim3A_9 = vector.broadcast %broadcast_in_dim3A : f32 to vector<1x2048xf32>
    %concatenate3A = tpu.concatenate %get3A_8, %mul3A, %broadcast_in_dim3A_9 in 0 : vector<3x2048xf32>, vector<3x2048xf32>, vector<1x2048xf32> -> vector<7x2048xf32>
    %get3A_10 = arith.constant 0 : index
    %get3A_11 = arith.constant 0 : index
    %get3A_12 = vector.load %arg5[%get3A_10, %get3A_11] : memref<128x8xf32, #tpu.memory_space<vmem>>, vector<128x7xf32>
    %dot_general3A = arith.constant dense<0.000000e+00> : vector<128x2048xf32>
    %dot_general3A_13 = tpu.matmul %get3A_12, %concatenate3A, %dot_general3A {dimension_numbers = #tpu.dot_dimension_numbers<[1], [0], [0], [1], [0, 0, 1, 1], [], []>, transpose_lhs_hint = false} : vector<128x7xf32>, vector<7x2048xf32>, vector<128x2048xf32> -> vector<128x2048xf32>
    %max3A = arith.constant 9.99999971E-10 : f32
    %max3A_14 = vector.broadcast %max3A : f32 to vector<128x2048xf32>
    %max3A_15 = arith.maximumf %dot_general3A_13, %max3A_14 : vector<128x2048xf32>
    %rsqrt3A = math.rsqrt %max3A_15 : vector<128x2048xf32>
    %mul3A_16 = arith.mulf %max3A_15, %rsqrt3A : vector<128x2048xf32>
    %sub3A = arith.constant 1.000000e+00 : f32
    %sub3A_17 = vector.broadcast %sub3A : f32 to vector<128x2048xf32>
    %sub3A_18 = arith.subf %sub3A_17, %mul3A_16 : vector<128x2048xf32>
    %max3A_19 = arith.constant 0.000000e+00 : f32
    %max3A_20 = vector.broadcast %max3A_19 : f32 to vector<128x2048xf32>
    %max3A_21 = arith.maximumf %max3A_20, %sub3A_18 : vector<128x2048xf32>
    %select_n3A = arith.select %eq3A_5, %max3A_15, %max3A_21 : vector<128x2048xi1>, vector<128x2048xf32>
    %slice3A = vector.extract_strided_slice %select_n3A {offsets = [0, 0], sizes = [128, 128], strides = [1, 1]} : vector<128x2048xf32> to vector<128x128xf32>
    %slice3A_22 = vector.extract_strided_slice %select_n3A {offsets = [0, 128], sizes = [128, 128], strides = [1, 1]} : vector<128x2048xf32> to vector<128x128xf32>
    %add3A = arith.addf %slice3A, %slice3A_22 : vector<128x128xf32>
    %slice3A_23 = vector.extract_strided_slice %select_n3A {offsets = [0, 256], sizes = [128, 128], strides = [1, 1]} : vector<128x2048xf32> to vector<128x128xf32>
    %add3A_24 = arith.addf %add3A, %slice3A_23 : vector<128x128xf32>
    %slice3A_25 = vector.extract_strided_slice %select_n3A {offsets = [0, 384], sizes = [128, 128], strides = [1, 1]} : vector<128x2048xf32> to vector<128x128xf32>
    %add3A_26 = arith.addf %add3A_24, %slice3A_25 : vector<128x128xf32>
    %slice3A_27 = vector.extract_strided_slice %select_n3A {offsets = [0, 512], sizes = [128, 128], strides = [1, 1]} : vector<128x2048xf32> to vector<128x128xf32>
    %add3A_28 = arith.addf %add3A_26, %slice3A_27 : vector<128x128xf32>
    %slice3A_29 = vector.extract_strided_slice %select_n3A {offsets = [0, 640], sizes = [128, 128], strides = [1, 1]} : vector<128x2048xf32> to vector<128x128xf32>
    %add3A_30 = arith.addf %add3A_28, %slice3A_29 : vector<128x128xf32>
    %slice3A_31 = vector.extract_strided_slice %select_n3A {offsets = [0, 768], sizes = [128, 128], strides = [1, 1]} : vector<128x2048xf32> to vector<128x128xf32>
    %add3A_32 = arith.addf %add3A_30, %slice3A_31 : vector<128x128xf32>
    %slice3A_33 = vector.extract_strided_slice %select_n3A {offsets = [0, 896], sizes = [128, 128], strides = [1, 1]} : vector<128x2048xf32> to vector<128x128xf32>
    %add3A_34 = arith.addf %add3A_32, %slice3A_33 : vector<128x128xf32>
    %slice3A_35 = vector.extract_strided_slice %select_n3A {offsets = [0, 1024], sizes = [128, 128], strides = [1, 1]} : vector<128x2048xf32> to vector<128x128xf32>
    %add3A_36 = arith.addf %add3A_34, %slice3A_35 : vector<128x128xf32>
    %slice3A_37 = vector.extract_strided_slice %select_n3A {offsets = [0, 1152], sizes = [128, 128], strides = [1, 1]} : vector<128x2048xf32> to vector<128x128xf32>
    %add3A_38 = arith.addf %add3A_36, %slice3A_37 : vector<128x128xf32>
    %slice3A_39 = vector.extract_strided_slice %select_n3A {offsets = [0, 1280], sizes = [128, 128], strides = [1, 1]} : vector<128x2048xf32> to vector<128x128xf32>
    %add3A_40 = arith.addf %add3A_38, %slice3A_39 : vector<128x128xf32>
    %slice3A_41 = vector.extract_strided_slice %select_n3A {offsets = [0, 1408], sizes = [128, 128], strides = [1, 1]} : vector<128x2048xf32> to vector<128x128xf32>
    %add3A_42 = arith.addf %add3A_40, %slice3A_41 : vector<128x128xf32>
    %slice3A_43 = vector.extract_strided_slice %select_n3A {offsets = [0, 1536], sizes = [128, 128], strides = [1, 1]} : vector<128x2048xf32> to vector<128x128xf32>
    %add3A_44 = arith.addf %add3A_42, %slice3A_43 : vector<128x128xf32>
    %slice3A_45 = vector.extract_strided_slice %select_n3A {offsets = [0, 1664], sizes = [128, 128], strides = [1, 1]} : vector<128x2048xf32> to vector<128x128xf32>
    %add3A_46 = arith.addf %add3A_44, %slice3A_45 : vector<128x128xf32>
    %slice3A_47 = vector.extract_strided_slice %select_n3A {offsets = [0, 1792], sizes = [128, 128], strides = [1, 1]} : vector<128x2048xf32> to vector<128x128xf32>
    %add3A_48 = arith.addf %add3A_46, %slice3A_47 : vector<128x128xf32>
    %slice3A_49 = vector.extract_strided_slice %select_n3A {offsets = [0, 1920], sizes = [128, 128], strides = [1, 1]} : vector<128x2048xf32> to vector<128x128xf32>
    %add3A_50 = arith.addf %add3A_48, %slice3A_49 : vector<128x128xf32>
    %get3A_51 = arith.constant 0 : index
    %get3A_52 = arith.constant 0 : index
    %get3A_53 = vector.load %arg6[%get3A_51, %get3A_52] : memref<128x128xf32, #tpu.memory_space<vmem>>, vector<128x128xf32>
    %add3A_54 = arith.addf %get3A_53, %add3A_50 : vector<128x128xf32>
    %swap3A = arith.constant 0 : index
    %swap3A_55 = arith.constant 0 : index
    %swap3A_56 = vector.load %arg6[%swap3A, %swap3A_55] : memref<128x128xf32, #tpu.memory_space<vmem>>, vector<128x128xf32>
    tpu.vector_store %arg6[%swap3A, %swap3A_55], %add3A_54 {strides = array<i32>} : memref<128x128xf32, #tpu.memory_space<vmem>>, vector<128x128xf32>,
    %eq3A_57 = arith.constant 7 : i32
    %eq3A_58 = arith.cmpi eq, %arg0, %eq3A_57 : i32
    %convert_element_type3A_59 = arith.extui %eq3A_58 : i1 to i32
    %cond3A_60 = arith.constant 0 : i32
    %cond3A_61 = arith.cmpi ne, %convert_element_type3A_59, %cond3A_60 : i32
    scf.if %cond3A_61 {
      %get3A_62 = arith.constant 0 : index
      %get3A_63 = arith.constant 0 : index
      %get3A_64 = vector.load %arg6[%get3A_62, %get3A_63] : memref<128x128xf32, #tpu.memory_space<vmem>>, vector<128x128xf32>
      %reduce_sum3A = vector.shape_cast %get3A_64 : vector<128x128xf32> to vector<1x128x128xf32>
      %reduce_sum3A_65 = arith.constant dense<0.000000e+00> : vector<1xf32>
      %reduce_sum3A_66 = vector.multi_reduction <add>, %reduce_sum3A, %reduce_sum3A_65 [1, 2] : vector<1x128x128xf32> to vector<1xf32>
      %reduce_sum3A_67 = vector.shape_cast %reduce_sum3A_66 : vector<1xf32> to vector<1x1x1xf32>
      %reduce_sum3A_68 = vector.extract %reduce_sum3A_67[0, 0, 0] : f32 from vector<1x1x1xf32>
      %mul3A_69 = arith.constant 5.17126427E-5 : f32
      %mul3A_70 = arith.mulf %mul3A_69, %reduce_sum3A_68 : f32
      %swap3A_71 = arith.constant 0 : index
      %swap3A_72 = arith.constant 0 : index
      %swap3A_73 = memref.load %arg4[%swap3A_71, %swap3A_72] : memref<1x1xf32, #tpu.memory_space<smem>>
      memref.store %mul3A_70, %arg4[%swap3A_71, %swap3A_72] : memref<1x1xf32, #tpu.memory_space<smem>>
    } else {
    }
    return
  }
  func.func @transform_0(%arg0: i32) -> (i32, i32) {
    %c0_i32 = arith.constant 0 : i32
    %c0_i32_0 = arith.constant 0 : i32
    return %c0_i32, %arg0 : i32, i32
  }
  func.func @transform_1(%arg0: i32) -> (i32, i32) {
    %c0_i32 = arith.constant 0 : i32
    %c0_i32_0 = arith.constant 0 : i32
    return %c0_i32, %arg0 : i32, i32
  }
  func.func @transform_2(%arg0: i32) -> (i32, i32, i32) {
    %c0_i32 = arith.constant 0 : i32
    %c0_i32_0 = arith.constant 0 : i32
    %c0_i32_1 = arith.constant 0 : i32
    %c0_i32_2 = arith.constant 0 : i32
    return %c0_i32, %c0_i32_0, %c0_i32_1 : i32, i32, i32
  }
  func.func @transform_3(%arg0: i32) -> (i32, i32) {
    %c0_i32 = arith.constant 0 : i32
    %c0_i32_0 = arith.constant 0 : i32
    %c0_i32_1 = arith.constant 0 : i32
    return %c0_i32, %c0_i32_0 : i32, i32
  }
}

</mosaic_0001>

<sc_bundles>
// kernel: kernel.4.cloned.1.call-start
scs
__scs_entry_jumppad:
0x0: {  	(pc) =	sbr.rel $0x88, $3  }
0x1: {  	(tag) =	ssettag $0x0;
	lr =	simm.s32 $0x1  }
0x2: {  	[smem:$0x3F9F] =	sst lr;
	_ =	strace $0xD0000000  }
0x3: {  	_ = 	snop  }
0x4: {  	_ = 	snop  }
0x5: {  	_ = 	snop  }
0x6: {  	_ = 	snop  }
0x7: {  	_ = 	snop  }
__scs_overlays_trampoline_lowered:
0x8: {  	[smem:$0x3FAE] =	sst s0  }
0x9: {  	[smem:$0x3FAF] =	sst s1  }
0xa: {  	[smem:$0x3FB0] =	sst s2  }
0xb: {  	[smem:$0x3FB1] =	sst s3  }
0xc: {  	[smem:$0x3FB2] =	sst s4  }
0xd: {  	[smem:$0x3FB3] =	sst s5  }
0xe: {  	[smem:$0x3FB4] =	sst s6  }
0xf: {  	[smem:$0x3FB5] =	sst s7  }
0x10: {  	[smem:$0x3FB6] =	sst s8  }
0x11: {  	[smem:$0x3FB7] =	sst s9;
	s0 =	simm.s32 @!p0 $0x0  }
0x12: {  	s1 =	sld [smem:$0x3F9D];
	s0 =	simm.s32 @p0 $0x1  }
0x13: {  	[smem:$0x3FB8] =	sst s0;
	s0 =	simm.s32 @!p1 $0x0  }
0x14: {  	s2 =	sld [smem:$0x3F9C];
	s0 =	simm.s32 @p1 $0x1  }
0x15: {  	[smem:$0x3FB9] =	sst s0;
	s0 =	simm.s32 @!p2 $0x0  }
0x16: {  	s3 =	sld [smem:$0x3FDB];
	s0 =	simm.s32 @p2 $0x1  }
0x17: {  	s4 =	simm.s32 $0x1BF5;
	[smem:$0x3FBB] =	sst s0  }
0x18: {  	s0 =	sld [smem:$0x3F9E];
	_ =	swait.ge [sflag:s4], $0x0  }
0x19: {  	s7 =	sld [smem:$0x3F9F]  }
0x1a: {  	s8 =	sadd.s32 $0xFFFFE003, lr  }
0x1b: {  	s9 =	sadd.s32 $0xFFFFFEF7, lr;
	s5 =	simm.s32 $0xFFFFFFFF;
	p2 =	slt.u32 s8, $0xFFFFF086  }
0x1c: {  	p1 =	slt.u32 s9, $0xF7A;
	s5 =	simm.s32 @!p2 $0x0  }
0x1d: {  	s5 =	simm.s32 @p1 $0x1;
	p0 =	seq.s32 s7, s2  }
0x1e: {  	s7 =	smul.u32 @!p0 $0xF7A, s2;
	p2 =	seq.s32 @!p0 s5, $0x0  }
0x1f: {  	s9 =	smul.u32 $0xF7A, s1;
	s8 =	simm.s32 @!p0 $0x1BF5;
	p2 =	por !p2, p0  }
0x20: {  	[sflag:s8] =	ssyncset.s32 @!p0 $0xFFFFF086;
	s6 =	sadd.s32 @!p0 s3, s7;
	s7 =	simm.s32 @!p0 $0x108  }
0x21: {  	s3 =	sadd.s32 s3, s9;
	s6 =	sadd.s32 @!p0 $0x88, s6;
	s7 =	simm.s32 @p2 $0x1082  }
0x22: {  	[simem:s7], [sflag:s8] =	dma.local @!p0 [hbm:s6], $0xF7A  }
0x23: {  	s9 =	sor.u32 $0xD0000000, s2;
	s6 =	simm.s32 $0x108;
	_ =	swait.ge @!p0 [sflag:s8], $0x0  }
0x24: {  	s3 =	sadd.s32 $0x88, s3;
	s6 =	simm.s32 @!p1 $0x1082;
	[sflag:s4] =	ssyncset.s32 $0xFFFFF086  }
0x25: {  	[simem:s6], [sflag:s4] =	dma.local [hbm:s3], $0xF7A  }
0x26: {  	[smem:$0x3F9F] =	sst s1;
	(tag) =	ssettag s2;
	_ =	strace s9  }
0x27: {  	s1 =	sld [smem:$0x3FAF]  }
0x28: {  	s2 =	sld [smem:$0x3FB0]  }
0x29: {  	s4 =	sld [smem:$0x3FB2]  }
0x2a: {  	p0 =	seq.s32 s5, $0x0;
	s5 =	sld [smem:$0x3FB3]  }
0x2b: {  	s6 =	sld [smem:$0x3FB4]  }
0x2c: {  	s7 =	sld [smem:$0x3FB5]  }
0x2d: {  	s3 =	simm.s32 $0x108;
	s8 =	sld [smem:$0x3FB6]  }
0x2e: {  	s3 =	simm.s32 @!p0 $0x1082;
	s9 =	sld [smem:$0x3FB7]  }
0x2f: {  	lr =	sadd.s32 s0, s3;
	s0 =	sld [smem:$0x3FAE]  }
0x30: {  	s3 =	sld [smem:$0x3FB1]  }
0x31: {  	[smem:$0x3FBA] =	sst s10  }
0x32: {  	s10 =	sld [smem:$0x3FB8];
	_ =	sdelay $0x3  }
0x33: {  	p0 =	seq.s32 s10, $0x1;
	s10 =	sld [smem:$0x3FBA];
	_ =	sdelay $0x3  }
0x34: {  	[smem:$0x3FBA] =	sst s10  }
0x35: {  	s10 =	sld [smem:$0x3FB9];
	_ =	sdelay $0x3  }
0x36: {  	p1 =	seq.s32 s10, $0x1;
	s10 =	sld [smem:$0x3FBA];
	_ =	sdelay $0x3  }
0x37: {  	[smem:$0x3FBA] =	sst s10  }
0x38: {  	s10 =	sld [smem:$0x3FBB]  }
0x39: {  	_ = 	snop;
	(pc) =	sbr.ind lr, $3  }
0x3a: {  	_ = 	snop  }
0x3b: {  	_ = 	snop  }
0x3c: {  	p2 =	seq.s32 s10, $0x1;
	s10 =	sld [smem:$0x3FBA]  }
0x3d: {  	_ =	shalt  }
0x3e: {  	_ =	shalt  }
0x3f: {  	_ =	shalt  }
0x40: {  	_ =	shalt  }
0x41: {  	_ =	shalt  }
0x42: {  	_ =	shalt  }
0x43: {  	_ =	shalt  }
0x44: {  	_ =	shalt  }
0x45: {  	_ =	shalt  }
0x46: {  	_ =	shalt  }
0x47: {  	_ =	shalt  }
0x48: {  	_ =	shalt  }
0x49: {  	_ =	shalt  }
0x4a: {  	_ =	shalt  }
0x4b: {  	_ =	shalt  }
0x4c: {  	_ =	shalt  }
0x4d: {  	_ =	shalt  }
0x4e: {  	_ =	shalt  }
0x4f: {  	_ =	shalt  }
0x50: {  	_ =	shalt  }
0x51: {  	_ =	shalt  }
0x52: {  	_ =	shalt  }
0x53: {  	_ =	shalt  }
0x54: {  	_ =	shalt  }
0x55: {  	_ =	shalt  }
0x56: {  	_ =	shalt  }
0x57: {  	_ =	shalt  }
0x58: {  	_ =	shalt  }
0x59: {  	_ =	shalt  }
0x5a: {  	_ =	shalt  }
0x5b: {  	_ =	shalt  }
0x5c: {  	_ =	shalt  }
0x5d: {  	_ =	shalt  }
0x5e: {  	_ =	shalt  }
0x5f: {  	_ =	shalt  }
0x60: {  	_ =	shalt  }
0x61: {  	_ =	shalt  }
0x62: {  	_ =	shalt  }
0x63: {  	_ =	shalt  }
0x64: {  	_ =	shalt  }
0x65: {  	_ =	shalt  }
0x66: {  	_ =	shalt  }
0x67: {  	_ =	shalt  }
0x68: {  	_ =	shalt  }
0x69: {  	_ =	shalt  }
0x6a: {  	_ =	shalt  }
0x6b: {  	_ =	shalt  }
0x6c: {  	_ =	shalt  }
0x6d: {  	_ =	shalt  }
0x6e: {  	_ =	shalt  }
0x6f: {  	_ =	shalt  }
0x70: {  	_ =	shalt  }
0x71: {  	_ =	shalt  }
0x72: {  	_ =	shalt  }
0x73: {  	_ =	shalt  }
0x74: {  	_ =	shalt  }
0x75: {  	_ =	shalt  }
0x76: {  	_ =	shalt  }
0x77: {  	_ =	shalt  }
0x78: {  	_ =	shalt  }
0x79: {  	_ =	shalt  }
0x7a: {  	_ =	shalt  }
0x7b: {  	_ =	shalt  }
0x7c: {  	_ =	shalt  }
0x7d: {  	_ =	shalt  }
0x7e: {  	_ =	shalt  }
0x7f: {  	_ =	shalt  }
0x80: {  	_ =	shalt  }
0x81: {  	_ =	shalt  }
0x82: {  	_ =	shalt  }
0x83: {  	_ =	shalt  }
0x84: {  	_ =	shalt  }
0x85: {  	_ =	shalt  }
0x86: {  	_ =	shalt  }
0x87: {  	_ =	shalt  }
.Lfunc_end0:
.L_simem_size_0:
called_computation_lowered:
.L_overlay_start_0:
0x88: {  	s2 =	sld [smem:$0x3FD9]  }
0x89: {  	s3 =	sld [smem:$0x3FFE];
	_ =	sdelay $0x1  }
0x8a: {  	s1 =	srdreg.scid  }
0x8b: {  	s0 =	sand.u32 $0x1, s1  }
0x8c: {  	s16 =	sshll.u32 s0, $0xA;
	s2 =	sadd.s32 s3, s2  }
0x8d: {  	s2 =	sadd.s32 s2, s16  }
0x8e: {  	[smem:$0x3FC6] =	sst s2  }
0x8f: {  	_ = 	snop  }
0x90: {  	(tm) =	ssettm $0x1  }
0x91: {  	s17 =	sld [smem:$0x3FFB];
	_ =	sdelay $0x3  }
0x92: {  	_ =	strace s17  }
0x93: {  	s2 =	sld [smem:$0x3FFC];
	_ =	sdelay $0x3  }
0x94: {  	_ =	strace s2  }
0x95: {  	s2 =	sld [smem:$0x3FFD];
	_ =	sdelay $0x3  }
0x96: {  	_ =	strace s2  }
0x97: {  	_ =	strace $0x8FFFFFFF  }
0x98: {  	s18 =	sld [smem:$0x3FDB];
	_ =	sdelay $0x1  }
0x99: {  	s19 =	simm.s32 $_scs_section_size  }
0x9a: {  	s4 =	simm.s32 $_size__tile_overlayer_lowered;
	s5 =	simm.s32 $_tile_overlayer_lowered  }
0x9b: {  	s22 =	simm.s32 $0x1BFF;
	s21 =	sshll.u32 s5, $0x1;
	s2 =	sadd.s32 s19, s18  }
0x9c: {  	s6 =	simm.s32 $0x0;
	s20 =	sshll.u32 s4, $0x1;
	s4 =	sadd.s32 s21, s2  }
0x9d: {  	[timem:s6], [sflag:s22] =	dma.local [hbm:s4], s20  }
0x9e: {  	_ =	swait.ge [sflag:s22], s20  }
0x9f: {  	s3 =	ssub.s32 $0x0, s20;
	[sflag:s22] =	ssyncset.done $0x0  }
0xa0: {  	[sflag:s22] =	ssyncadd.s32 s3;
	_ =	sdelay $0x1  }
0xa1: {  	s23 =	simm.s32 $0x1B8B  }
0xa2: {  	_ =	swait.ge [sflag:s23], $0x1  }
0xa3: {  	[sflag:s23] =	ssyncset.done $0x0  }
0xa4: {  	s25 =	simm.s32 $0x1B8E;
	s24 =	sld [smem:$0x3FFE];
	[sflag:s23] =	ssyncadd.s32 $0xFFFFFFFF  }
0xa5: {  	s26 =	simm.s32 $execute0_lowered;
	[smem:$0x3FD2] =	sst s25  }
0xa6: {  	s4 =	sshll.u32 s26, $0x1;
	_ =	strace $0x80000046;
	[dreg:$0x1] =	wrdreg $0xFFFFFFFF  }
0xa7: {  	s28 =	simm.s32 $_size_execute0_lowered;
	s2 =	sadd.s32 s2, s4;
	[dreg:$0x0] =	wrdreg $0x0  }
0xa8: {  	s4 =	sshll.u32 s28, $0x1;
	[dreg:$0x2] =	wrdreg s2  }
0xa9: {  	[dreg:$0x3] =	wrdreg s4  }
0xaa: {  	[dreg:$0x4] =	wrdreg $0xC0  }
0xab: {  	_ =	task [dreg:s6], $0x5FFFF  }
0xac: {  	[dreg:$0x1] =	wrdreg $0xFFFFFFFF  }
0xad: {  	[dreg:$0x0] =	wrdreg $0x60  }
0xae: {  	[dreg:$0x2] =	wrdreg s24  }
0xaf: {  	[dreg:$0x3] =	wrdreg $0x9  }
0xb0: {  	_ =	task.clear_ibuf [dreg:s6], $0x4FFFF;
	_ =	strace $0x90000046  }
0xb1: {  	s29 =	simm.s32 $0x9;
	_ =	strace $0x80000048  }
0xb2: {  	_ =	swait.ge [sflag:s29], $0x1  }
0xb3: {  	[sflag:s29] =	ssyncadd.s32 $0xFFFFFFFF  }
0xb4: {  	_ =	strace $0x90000048  }
0xb5: {  	_ =	sfence  }
0xb6: {  	s30 =	sld [smem:$0x0];
	_ =	sdelay $0x2  }
0xb7: {  	s31 =	sshll.u32 s1, $0xD;
	s1 =	sshrl.u32 s1, $0x2  }
0xb8: {  	s3 =	sand.u32 $0x4000, s31;
	s1 =	sadd.s32 s1, s30  }
0xb9: {  	s0 =	sor.u32 s3, s0;
	s1 =	sshll.u32 s1, $0x11  }
0xba: {  	s0 =	sor.u32 s1, s0  }
0xbb: {  	s0 =	sadd.s32 $0x8F2B, s0  }
0xbc: {  	[sflag:s0] =	ssyncadd.remote.s32 $0x1  }
0xbd: {  	_ =	sfence.sel $0xFFFF  }
0xbe: {  	[dreg:$0x0] =	wrdreg $0xFFFFFFFF;
	(pc) =	sbr.abs _section_cstart, $3  }
0xbf: {  	[dreg:$0x1] =	wrdreg $0xFFFFFFFF  }
0xc0: {  	_ =	task.clear_ibuf [dreg:s6], $0x2FFFF;
	_ =	strace $0x9FFFFFFF  }
0xc1: {  	(tm) =	ssettm $0x7FFFFFFF  }
tec
execute0_lowered:
.L_overlay_start_1:
0x0: {  	(tag) =	ssettag $0x1  }
0x1: {  	s1 =	srdreg.scid;
	s0 =	stileid.u32  }
0x2: {  	s3 =	rddreg [dreg:$0x0];
	s2 =	simm.s32 $0x0;
	s10 =	simm.s32 $0x10000  }
0x3: {  	s11 =	simm.s32 $0x0;
	s4 =	sand.u32 $0x1, s1;
	s1 =	rddreg [dreg:$0x1]  }
0x4: {  	s5 =	sshll.u32 s0, $0x1;
	[smem:$0x7FF] =	sst s2;
	s7 =	sshll.u32 s0, $0x7  }
0x5: {  	s5 =	sor.u32 s4, s5;
	_ =	strace $0x80000047;
	s7 =	sand.u32 $0x600, s7  }
0x6: {  	s4 =	ssub.s32 $0x2, s4;
	s6 =	sshll.u32 s5, $0xD;
	s7 =	sadd.s32 s7, s3  }
0x7: {  	s8 =	sshll.u32 s5, $0x4;
	s5 =	sshll.u32 s5, $0xB;
	s9 =	sshrl.u32 s4, $0x1  }
0x8: {  	s6 =	sadd.s32 s6, s3;
	s8 =	sand.u32 $0x70, s8;
	s5 =	sadd.s32 s5, s3  }
0x9: {  	s9 =	ssub.s32 s4, s9;
	s31 =	sadd.s32 s8, s7;
	s3 =	sadd.s32 $0xE00, s6  }
0xa: {  	s5 =	sadd.s32 $0x40E00, s5;
	s6 =	smax.u32 s9, $0x1;
	s7 =	simm.s32 $0x1  }
0xb: {  	v0 =	vimm.f32 $0.0e+00;
	s8 =	simm.s32 $0x80;
	s9 =	simm.s32 $0x14000;
	s4 =	sadd.s32 $0x600, s31  }
.LBB2_1:
0xc: {  	[tilespmem:s2], [sflag:$0x1] =	stream.linear.gather [hbm4b:s3+s2], $0x10000, $0x38;
	[tilespmem:$0x14200] =	vst v63  }
0xd: {  	_ =	swait.ge [sflag:s7], $0x10000  }
0xe: {  	[sflag:s7] =	ssyncset.done $0x0  }
0xf: {  	s12 =	simm.s32 $0x400;
	[sflag:s7] =	ssyncadd.s32 $0xFFFF0000  }
0x10: {  	[tilespmem:s9], [sflag:$0x1] =	stream.strided.gather [hbm4b:s4+s8], $0x200, s12, s8, $0x38;
	[tilespmem:$0x14200] =	vst v63  }
0x11: {  	_ =	swait.ge [sflag:s7], $0x200  }
0x12: {  	[sflag:s7] =	ssyncset.done $0x0  }
0x13: {  	[sflag:s7] =	ssyncadd.s32 $0xFFFFFE00  }
0x14: {  	[tilespmem:$0x10000] =	vst v0  }
0x15: {  	[tilespmem:$0x10080] =	vst v0  }
0x16: {  	[tilespmem:$0x10100] =	vst v0  }
0x17: {  	[tilespmem:$0x10180] =	vst v0  }
0x18: {  	[tilespmem:$0x10200] =	vst v0  }
0x19: {  	[tilespmem:$0x10280] =	vst v0  }
0x1a: {  	[tilespmem:$0x10300] =	vst v0  }
0x1b: {  	[tilespmem:$0x10380] =	vst v0  }
0x1c: {  	[tilespmem:$0x10400] =	vst v0  }
0x1d: {  	[tilespmem:$0x10480] =	vst v0  }
0x1e: {  	[tilespmem:$0x10500] =	vst v0  }
0x1f: {  	[tilespmem:$0x10580] =	vst v0  }
0x20: {  	[tilespmem:$0x10600] =	vst v0  }
0x21: {  	[tilespmem:$0x10680] =	vst v0  }
0x22: {  	[tilespmem:$0x10700] =	vst v0  }
0x23: {  	[tilespmem:$0x10780] =	vst v0  }
0x24: {  	[tilespmem:$0x10800] =	vst v0  }
0x25: {  	[tilespmem:$0x10880] =	vst v0  }
0x26: {  	[tilespmem:$0x10900] =	vst v0  }
0x27: {  	[tilespmem:$0x10980] =	vst v0  }
0x28: {  	[tilespmem:$0x10A00] =	vst v0  }
0x29: {  	[tilespmem:$0x10A80] =	vst v0  }
0x2a: {  	[tilespmem:$0x10B00] =	vst v0  }
0x2b: {  	[tilespmem:$0x10B80] =	vst v0  }
0x2c: {  	[tilespmem:$0x10C00] =	vst v0  }
0x2d: {  	[tilespmem:$0x10C80] =	vst v0  }
0x2e: {  	[tilespmem:$0x10D00] =	vst v0  }
0x2f: {  	[tilespmem:$0x10D80] =	vst v0  }
0x30: {  	[tilespmem:$0x10E00] =	vst v0  }
0x31: {  	[tilespmem:$0x10E80] =	vst v0  }
0x32: {  	[tilespmem:$0x10F00] =	vst v0  }
0x33: {  	[tilespmem:$0x10F80] =	vst v0  }
0x34: {  	[tilespmem:$0x11000] =	vst v0  }
0x35: {  	[tilespmem:$0x11080] =	vst v0  }
0x36: {  	[tilespmem:$0x11100] =	vst v0  }
0x37: {  	[tilespmem:$0x11180] =	vst v0  }
0x38: {  	[tilespmem:$0x11200] =	vst v0  }
0x39: {  	[tilespmem:$0x11280] =	vst v0  }
0x3a: {  	[tilespmem:$0x11300] =	vst v0  }
0x3b: {  	[tilespmem:$0x11380] =	vst v0  }
0x3c: {  	[tilespmem:$0x11400] =	vst v0  }
0x3d: {  	[tilespmem:$0x11480] =	vst v0  }
0x3e: {  	[tilespmem:$0x11500] =	vst v0  }
0x3f: {  	[tilespmem:$0x11580] =	vst v0  }
0x40: {  	[tilespmem:$0x11600] =	vst v0  }
0x41: {  	[tilespmem:$0x11680] =	vst v0  }
0x42: {  	[tilespmem:$0x11700] =	vst v0  }
0x43: {  	[tilespmem:$0x11780] =	vst v0  }
0x44: {  	[tilespmem:$0x11800] =	vst v0  }
0x45: {  	[tilespmem:$0x11880] =	vst v0  }
0x46: {  	[tilespmem:$0x11900] =	vst v0  }
0x47: {  	[tilespmem:$0x11980] =	vst v0  }
0x48: {  	[tilespmem:$0x11A00] =	vst v0  }
0x49: {  	[tilespmem:$0x11A80] =	vst v0  }
0x4a: {  	[tilespmem:$0x11B00] =	vst v0  }
0x4b: {  	[tilespmem:$0x11B80] =	vst v0  }
0x4c: {  	[tilespmem:$0x11C00] =	vst v0  }
0x4d: {  	[tilespmem:$0x11C80] =	vst v0  }
0x4e: {  	[tilespmem:$0x11D00] =	vst v0  }
0x4f: {  	[tilespmem:$0x11D80] =	vst v0  }
0x50: {  	[tilespmem:$0x11E00] =	vst v0  }
0x51: {  	[tilespmem:$0x11E80] =	vst v0  }
0x52: {  	[tilespmem:$0x11F00] =	vst v0  }
0x53: {  	[tilespmem:$0x11F80] =	vst v0  }
0x54: {  	[tilespmem:$0x12000] =	vst v0  }
0x55: {  	[tilespmem:$0x12080] =	vst v0  }
0x56: {  	[tilespmem:$0x12100] =	vst v0  }
0x57: {  	[tilespmem:$0x12180] =	vst v0  }
0x58: {  	[tilespmem:$0x12200] =	vst v0  }
0x59: {  	[tilespmem:$0x12280] =	vst v0  }
0x5a: {  	[tilespmem:$0x12300] =	vst v0  }
0x5b: {  	[tilespmem:$0x12380] =	vst v0  }
0x5c: {  	[tilespmem:$0x12400] =	vst v0  }
0x5d: {  	[tilespmem:$0x12480] =	vst v0  }
0x5e: {  	[tilespmem:$0x12500] =	vst v0  }
0x5f: {  	[tilespmem:$0x12580] =	vst v0  }
0x60: {  	[tilespmem:$0x12600] =	vst v0  }
0x61: {  	[tilespmem:$0x12680] =	vst v0  }
0x62: {  	[tilespmem:$0x12700] =	vst v0  }
0x63: {  	[tilespmem:$0x12780] =	vst v0  }
0x64: {  	[tilespmem:$0x12800] =	vst v0  }
0x65: {  	[tilespmem:$0x12880] =	vst v0  }
0x66: {  	[tilespmem:$0x12900] =	vst v0  }
0x67: {  	[tilespmem:$0x12980] =	vst v0  }
0x68: {  	[tilespmem:$0x12A00] =	vst v0  }
0x69: {  	[tilespmem:$0x12A80] =	vst v0  }
0x6a: {  	[tilespmem:$0x12B00] =	vst v0  }
0x6b: {  	[tilespmem:$0x12B80] =	vst v0  }
0x6c: {  	[tilespmem:$0x12C00] =	vst v0  }
0x6d: {  	[tilespmem:$0x12C80] =	vst v0  }
0x6e: {  	[tilespmem:$0x12D00] =	vst v0  }
0x6f: {  	[tilespmem:$0x12D80] =	vst v0  }
0x70: {  	[tilespmem:$0x12E00] =	vst v0  }
0x71: {  	[tilespmem:$0x12E80] =	vst v0  }
0x72: {  	[tilespmem:$0x12F00] =	vst v0  }
0x73: {  	[tilespmem:$0x12F80] =	vst v0  }
0x74: {  	[tilespmem:$0x13000] =	vst v0  }
0x75: {  	[tilespmem:$0x13080] =	vst v0  }
0x76: {  	[tilespmem:$0x13100] =	vst v0  }
0x77: {  	[tilespmem:$0x13180] =	vst v0  }
0x78: {  	[tilespmem:$0x13200] =	vst v0  }
0x79: {  	[tilespmem:$0x13280] =	vst v0  }
0x7a: {  	[tilespmem:$0x13300] =	vst v0  }
0x7b: {  	[tilespmem:$0x13380] =	vst v0  }
0x7c: {  	[tilespmem:$0x13400] =	vst v0  }
0x7d: {  	[tilespmem:$0x13480] =	vst v0  }
0x7e: {  	[tilespmem:$0x13500] =	vst v0  }
0x7f: {  	[tilespmem:$0x13580] =	vst v0  }
0x80: {  	[tilespmem:$0x13600] =	vst v0  }
0x81: {  	[tilespmem:$0x13680] =	vst v0  }
0x82: {  	[tilespmem:$0x13700] =	vst v0  }
0x83: {  	[tilespmem:$0x13780] =	vst v0  }
0x84: {  	[tilespmem:$0x13800] =	vst v0  }
0x85: {  	[tilespmem:$0x13880] =	vst v0  }
0x86: {  	[tilespmem:$0x13900] =	vst v0  }
0x87: {  	[tilespmem:$0x13980] =	vst v0  }
0x88: {  	[tilespmem:$0x13A00] =	vst v0  }
0x89: {  	[tilespmem:$0x13A80] =	vst v0  }
0x8a: {  	[tilespmem:$0x13B00] =	vst v0  }
0x8b: {  	[tilespmem:$0x13B80] =	vst v0  }
0x8c: {  	[tilespmem:$0x13C00] =	vst v0  }
0x8d: {  	[tilespmem:$0x13C80] =	vst v0  }
0x8e: {  	[tilespmem:$0x13D00] =	vst v0  }
0x8f: {  	[tilespmem:$0x13D80] =	vst v0  }
0x90: {  	[tilespmem:$0x13E00] =	vst v0  }
0x91: {  	[tilespmem:$0x13E80] =	vst v0  }
0x92: {  	[tilespmem:$0x13F00] =	vst v0  }
0x93: {  	s13 =	simm.s32 $0x0;
	[tilespmem:$0x13F80] =	vst v0  }
0x94: {  	v1 =	vld [tilespmem:s13+$0x14000];
	_ =	sdelay $0x4  }
0x95: {  	v1 =	vshll.u32 v1, $0x9  }
0x96: {  	v1 =	vshra.s32 v1, $0x2  }
0x97: {  	v1 =	vadd.s32 $0x10000, v1  }
0x98: {  	(v2sf) =	vpush v1, $0x0;
	_ =	sdelay $0x5  }
0x99: {  	(v2sf) =	vpush v1, $0x1;
	_ =	sdelay $0x4  }
0x9a: {  	v2 =	vld [tilespmem:s12+$0xFFFFFC00]  }
0x9b: {  	(v2sf) =	vpush v1, $0x2;
	_ =	sdelay $0x2  }
0x9c: {  	s16 =	spop (v2sf)  }
0x9d: {  	[tilespmem:s16+$0x0] =	vst.add.f32.msk $0xffff, v2  }
0x9e: {  	v2 =	vld [tilespmem:s12+$0xFFFFFC80]  }
0x9f: {  	(v2sf) =	vpush v1, $0x3;
	_ =	sdelay $0x2  }
0xa0: {  	s17 =	spop (v2sf)  }
0xa1: {  	[tilespmem:s17+$0x0] =	vst.add.f32.msk $0xffff, v2  }
0xa2: {  	v2 =	vld [tilespmem:s12+$0xFFFFFD00]  }
0xa3: {  	(v2sf) =	vpush v1, $0x4;
	_ =	sdelay $0x2  }
0xa4: {  	s18 =	spop (v2sf)  }
0xa5: {  	[tilespmem:s18+$0x0] =	vst.add.f32.msk $0xffff, v2  }
0xa6: {  	v2 =	vld [tilespmem:s12+$0xFFFFFD80]  }
0xa7: {  	(v2sf) =	vpush v1, $0x5;
	_ =	sdelay $0x2  }
0xa8: {  	s19 =	spop (v2sf)  }
0xa9: {  	[tilespmem:s19+$0x0] =	vst.add.f32.msk $0xffff, v2  }
0xaa: {  	v2 =	vld [tilespmem:s12+$0xFFFFFE00]  }
0xab: {  	(v2sf) =	vpush v1, $0x6;
	_ =	sdelay $0x2  }
0xac: {  	s20 =	spop (v2sf)  }
0xad: {  	[tilespmem:s20+$0x0] =	vst.add.f32.msk $0xffff, v2  }
0xae: {  	v2 =	vld [tilespmem:s12+$0xFFFFFE80]  }
0xaf: {  	(v2sf) =	vpush v1, $0x7;
	_ =	sdelay $0x2  }
0xb0: {  	s21 =	spop (v2sf)  }
0xb1: {  	[tilespmem:s21+$0x0] =	vst.add.f32.msk $0xffff, v2  }
0xb2: {  	v2 =	vld [tilespmem:s12+$0xFFFFFF00]  }
0xb3: {  	(v2sf) =	vpush v1, $0x8;
	_ =	sdelay $0x2  }
0xb4: {  	s22 =	spop (v2sf)  }
0xb5: {  	[tilespmem:s22+$0x0] =	vst.add.f32.msk $0xffff, v2  }
0xb6: {  	v2 =	vld [tilespmem:s12+$0xFFFFFF80]  }
0xb7: {  	(v2sf) =	vpush v1, $0x9;
	_ =	sdelay $0x2  }
0xb8: {  	s23 =	spop (v2sf)  }
0xb9: {  	[tilespmem:s23+$0x0] =	vst.add.f32.msk $0xffff, v2  }
0xba: {  	v2 =	vld [tilespmem:s12+$0x0]  }
0xbb: {  	(v2sf) =	vpush v1, $0xA;
	_ =	sdelay $0x2  }
0xbc: {  	s24 =	spop (v2sf)  }
0xbd: {  	[tilespmem:s24+$0x0] =	vst.add.f32.msk $0xffff, v2  }
0xbe: {  	v2 =	vld [tilespmem:s12+$0x80]  }
0xbf: {  	(v2sf) =	vpush v1, $0xB;
	_ =	sdelay $0x2  }
0xc0: {  	s25 =	spop (v2sf)  }
0xc1: {  	[tilespmem:s25+$0x0] =	vst.add.f32.msk $0xffff, v2  }
0xc2: {  	v2 =	vld [tilespmem:s12+$0x100]  }
0xc3: {  	(v2sf) =	vpush v1, $0xC;
	_ =	sdelay $0x2  }
0xc4: {  	s26 =	spop (v2sf)  }
0xc5: {  	[tilespmem:s26+$0x0] =	vst.add.f32.msk $0xffff, v2  }
0xc6: {  	v2 =	vld [tilespmem:s12+$0x180]  }
0xc7: {  	(v2sf) =	vpush v1, $0xD;
	_ =	sdelay $0x2  }
0xc8: {  	s28 =	spop (v2sf)  }
0xc9: {  	[tilespmem:s28+$0x0] =	vst.add.f32.msk $0xffff, v2  }
0xca: {  	v2 =	vld [tilespmem:s12+$0x200]  }
0xcb: {  	(v2sf) =	vpush v1, $0xE;
	_ =	sdelay $0x2  }
0xcc: {  	s29 =	spop (v2sf)  }
0xcd: {  	[tilespmem:s29+$0x0] =	vst.add.f32.msk $0xffff, v2  }
0xce: {  	(v2sf) =	vpush v1, $0xF;
	v1 =	vld [tilespmem:s12+$0x280];
	_ =	sdelay $0x3  }
0xcf: {  	s30 =	spop (v2sf)  }
0xd0: {  	[tilespmem:s30+$0x0] =	vst.add.f32.msk $0xffff, v1  }
0xd1: {  	v1 =	vld [tilespmem:s12+$0x300];
	_ =	sdelay $0x3  }
0xd2: {  	s31 =	spop (v2sf)  }
0xd3: {  	[tilespmem:s31+$0x0] =	vst.add.f32.msk $0xffff, v1  }
0xd4: {  	v1 =	vld [tilespmem:s12+$0x380];
	_ =	sdelay $0x2  }
0xd5: {  	s15 =	simm.s32 $0x80;
	s13 =	simm.s32 $0x40;
	s16 =	spop (v2sf)  }
.LBB2_2:
0xd6: {  	s17 =	sshra.s32 s13, $0x2  }
0xd7: {  	[tilespmem:s16+$0x0] =	vst.add.f32.msk $0xffff, v1;
	s12 =	sadd.s32 $0x800, s12;
	s13 =	smov.u32 s15;
	s14 =	sadd.s32 $0x40, s15  }
0xd8: {  	p0 =	sne.s32 s15, $0x7C0;
	v1 =	vld [tilespmem:s17+$0x14000];
	_ =	sdelay $0x4  }
0xd9: {  	v1 =	vshll.u32 v1, $0x9  }
0xda: {  	v1 =	vshra.s32 v1, $0x2  }
0xdb: {  	v1 =	vadd.s32 $0x10000, v1  }
0xdc: {  	(v2sf) =	vpush v1, $0x0;
	_ =	sdelay $0x5  }
0xdd: {  	(v2sf) =	vpush v1, $0x1;
	_ =	sdelay $0x4  }
0xde: {  	v2 =	vld [tilespmem:s12+$0xFFFFFC00]  }
0xdf: {  	(v2sf) =	vpush v1, $0x2;
	_ =	sdelay $0x2  }
0xe0: {  	s15 =	spop (v2sf)  }
0xe1: {  	[tilespmem:s15+$0x0] =	vst.add.f32.msk $0xffff, v2  }
0xe2: {  	v2 =	vld [tilespmem:s12+$0xFFFFFC80]  }
0xe3: {  	(v2sf) =	vpush v1, $0x3;
	_ =	sdelay $0x2  }
0xe4: {  	s15 =	spop (v2sf)  }
0xe5: {  	[tilespmem:s15+$0x0] =	vst.add.f32.msk $0xffff, v2  }
0xe6: {  	v2 =	vld [tilespmem:s12+$0xFFFFFD00]  }
0xe7: {  	(v2sf) =	vpush v1, $0x4;
	_ =	sdelay $0x2  }
0xe8: {  	s15 =	spop (v2sf)  }
0xe9: {  	[tilespmem:s15+$0x0] =	vst.add.f32.msk $0xffff, v2  }
0xea: {  	v2 =	vld [tilespmem:s12+$0xFFFFFD80]  }
0xeb: {  	(v2sf) =	vpush v1, $0x5;
	_ =	sdelay $0x2  }
0xec: {  	s15 =	spop (v2sf)  }
0xed: {  	[tilespmem:s15+$0x0] =	vst.add.f32.msk $0xffff, v2  }
0xee: {  	v2 =	vld [tilespmem:s12+$0xFFFFFE00]  }
0xef: {  	(v2sf) =	vpush v1, $0x6;
	_ =	sdelay $0x2  }
0xf0: {  	s15 =	spop (v2sf)  }
0xf1: {  	[tilespmem:s15+$0x0] =	vst.add.f32.msk $0xffff, v2  }
0xf2: {  	v2 =	vld [tilespmem:s12+$0xFFFFFE80]  }
0xf3: {  	(v2sf) =	vpush v1, $0x7;
	_ =	sdelay $0x2  }
0xf4: {  	s15 =	spop (v2sf)  }
0xf5: {  	[tilespmem:s15+$0x0] =	vst.add.f32.msk $0xffff, v2  }
0xf6: {  	v2 =	vld [tilespmem:s12+$0xFFFFFF00]  }
0xf7: {  	(v2sf) =	vpush v1, $0x8;
	_ =	sdelay $0x2  }
0xf8: {  	s15 =	spop (v2sf)  }
0xf9: {  	[tilespmem:s15+$0x0] =	vst.add.f32.msk $0xffff, v2  }
0xfa: {  	v2 =	vld [tilespmem:s12+$0xFFFFFF80]  }
0xfb: {  	(v2sf) =	vpush v1, $0x9;
	_ =	sdelay $0x2  }
0xfc: {  	s15 =	spop (v2sf)  }
0xfd: {  	[tilespmem:s15+$0x0] =	vst.add.f32.msk $0xffff, v2  }
0xfe: {  	v2 =	vld [tilespmem:s12+$0x0]  }
0xff: {  	(v2sf) =	vpush v1, $0xA;
	_ =	sdelay $0x2  }
0x100: {  	s15 =	spop (v2sf)  }
0x101: {  	[tilespmem:s15+$0x0] =	vst.add.f32.msk $0xffff, v2  }
0x102: {  	v2 =	vld [tilespmem:s12+$0x80]  }
0x103: {  	(v2sf) =	vpush v1, $0xB;
	_ =	sdelay $0x2  }
0x104: {  	s15 =	spop (v2sf)  }
0x105: {  	[tilespmem:s15+$0x0] =	vst.add.f32.msk $0xffff, v2  }
0x106: {  	v2 =	vld [tilespmem:s12+$0x100]  }
0x107: {  	(v2sf) =	vpush v1, $0xC;
	_ =	sdelay $0x2  }
0x108: {  	s15 =	spop (v2sf)  }
0x109: {  	[tilespmem:s15+$0x0] =	vst.add.f32.msk $0xffff, v2  }
0x10a: {  	v2 =	vld [tilespmem:s12+$0x180]  }
0x10b: {  	(v2sf) =	vpush v1, $0xD;
	_ =	sdelay $0x2  }
0x10c: {  	s15 =	spop (v2sf)  }
0x10d: {  	[tilespmem:s15+$0x0] =	vst.add.f32.msk $0xffff, v2  }
0x10e: {  	v2 =	vld [tilespmem:s12+$0x200]  }
0x10f: {  	(v2sf) =	vpush v1, $0xE;
	_ =	sdelay $0x2  }
0x110: {  	s15 =	spop (v2sf)  }
0x111: {  	[tilespmem:s15+$0x0] =	vst.add.f32.msk $0xffff, v2  }
0x112: {  	v2 =	vld [tilespmem:s12+$0x280]  }
0x113: {  	(v2sf) =	vpush v1, $0xF;
	_ =	sdelay $0x2  }
0x114: {  	s15 =	spop (v2sf)  }
0x115: {  	[tilespmem:s15+$0x0] =	vst.add.f32.msk $0xffff, v2  }
0x116: {  	v1 =	vld [tilespmem:s12+$0x300];
	_ =	sdelay $0x3  }
0x117: {  	s15 =	spop (v2sf)  }
0x118: {  	[tilespmem:s15+$0x0] =	vst.add.f32.msk $0xffff, v1  }
.Ltmp0:
0x119: {  	v1 =	vld [tilespmem:s12+$0x380];
	(pc) =	sbr.rel @p0 .LBB2_2-.Ltmp0, $2  }
0x11a: {  	_ =	sdelay $0x2  }
0x11b: {  	s15 =	smov.u32 s14;
	s16 =	spop (v2sf)  }
0x11c: {  	s13 =	sshra.s32 s13, $0x2;
	[tilespmem:s16+$0x0] =	vst.add.f32.msk $0xffff, v1  }
0x11d: {  	v1 =	vld [tilespmem:s13+$0x14000];
	_ =	sdelay $0x4  }
0x11e: {  	v1 =	vshll.u32 v1, $0x9  }
0x11f: {  	v1 =	vshra.s32 v1, $0x2  }
0x120: {  	v1 =	vadd.s32 $0x10000, v1  }
0x121: {  	(v2sf) =	vpush v1, $0x0;
	_ =	sdelay $0x5  }
0x122: {  	(v2sf) =	vpush v1, $0x1;
	_ =	sdelay $0x3  }
0x123: {  	s12 =	sadd.s32 $0x800, s12  }
0x124: {  	v2 =	vld [tilespmem:s12+$0xFFFFFC00]  }
0x125: {  	(v2sf) =	vpush v1, $0x2;
	_ =	sdelay $0x2  }
0x126: {  	s15 =	spop (v2sf)  }
0x127: {  	[tilespmem:s15+$0x0] =	vst.add.f32.msk $0xffff, v2  }
0x128: {  	v2 =	vld [tilespmem:s12+$0xFFFFFC80]  }
0x129: {  	(v2sf) =	vpush v1, $0x3;
	_ =	sdelay $0x2  }
0x12a: {  	s16 =	spop (v2sf)  }
0x12b: {  	[tilespmem:s16+$0x0] =	vst.add.f32.msk $0xffff, v2  }
0x12c: {  	v2 =	vld [tilespmem:s12+$0xFFFFFD00]  }
0x12d: {  	(v2sf) =	vpush v1, $0x4;
	_ =	sdelay $0x2  }
0x12e: {  	s17 =	spop (v2sf)  }
0x12f: {  	[tilespmem:s17+$0x0] =	vst.add.f32.msk $0xffff, v2  }
0x130: {  	v2 =	vld [tilespmem:s12+$0xFFFFFD80]  }
0x131: {  	(v2sf) =	vpush v1, $0x5;
	_ =	sdelay $0x2  }
0x132: {  	s18 =	spop (v2sf)  }
0x133: {  	[tilespmem:s18+$0x0] =	vst.add.f32.msk $0xffff, v2  }
0x134: {  	v2 =	vld [tilespmem:s12+$0xFFFFFE00]  }
0x135: {  	(v2sf) =	vpush v1, $0x6;
	_ =	sdelay $0x2  }
0x136: {  	s19 =	spop (v2sf)  }
0x137: {  	[tilespmem:s19+$0x0] =	vst.add.f32.msk $0xffff, v2  }
0x138: {  	v2 =	vld [tilespmem:s12+$0xFFFFFE80]  }
0x139: {  	(v2sf) =	vpush v1, $0x7;
	_ =	sdelay $0x2  }
0x13a: {  	s20 =	spop (v2sf)  }
0x13b: {  	[tilespmem:s20+$0x0] =	vst.add.f32.msk $0xffff, v2  }
0x13c: {  	v2 =	vld [tilespmem:s12+$0xFFFFFF00]  }
0x13d: {  	(v2sf) =	vpush v1, $0x8;
	_ =	sdelay $0x2  }
0x13e: {  	s21 =	spop (v2sf)  }
0x13f: {  	[tilespmem:s21+$0x0] =	vst.add.f32.msk $0xffff, v2  }
0x140: {  	v2 =	vld [tilespmem:s12+$0xFFFFFF80]  }
0x141: {  	(v2sf) =	vpush v1, $0x9;
	_ =	sdelay $0x2  }
0x142: {  	s22 =	spop (v2sf)  }
0x143: {  	[tilespmem:s22+$0x0] =	vst.add.f32.msk $0xffff, v2  }
0x144: {  	v2 =	vld [tilespmem:s12+$0x0]  }
0x145: {  	(v2sf) =	vpush v1, $0xA;
	_ =	sdelay $0x2  }
0x146: {  	s23 =	spop (v2sf)  }
0x147: {  	[tilespmem:s23+$0x0] =	vst.add.f32.msk $0xffff, v2  }
0x148: {  	v2 =	vld [tilespmem:s12+$0x80]  }
0x149: {  	(v2sf) =	vpush v1, $0xB;
	_ =	sdelay $0x2  }
0x14a: {  	s24 =	spop (v2sf)  }
0x14b: {  	[tilespmem:s24+$0x0] =	vst.add.f32.msk $0xffff, v2  }
0x14c: {  	v2 =	vld [tilespmem:s12+$0x100]  }
0x14d: {  	(v2sf) =	vpush v1, $0xC;
	_ =	sdelay $0x2  }
0x14e: {  	s25 =	spop (v2sf)  }
0x14f: {  	[tilespmem:s25+$0x0] =	vst.add.f32.msk $0xffff, v2  }
0x150: {  	v2 =	vld [tilespmem:s12+$0x180]  }
0x151: {  	(v2sf) =	vpush v1, $0xD;
	_ =	sdelay $0x2  }
0x152: {  	s26 =	spop (v2sf)  }
0x153: {  	[tilespmem:s26+$0x0] =	vst.add.f32.msk $0xffff, v2  }
0x154: {  	v2 =	vld [tilespmem:s12+$0x200]  }
0x155: {  	(v2sf) =	vpush v1, $0xE;
	_ =	sdelay $0x2  }
0x156: {  	s28 =	spop (v2sf)  }
0x157: {  	[tilespmem:s28+$0x0] =	vst.add.f32.msk $0xffff, v2  }
0x158: {  	v2 =	vld [tilespmem:s12+$0x280]  }
0x159: {  	(v2sf) =	vpush v1, $0xF;
	_ =	sdelay $0x2  }
0x15a: {  	s29 =	spop (v2sf)  }
0x15b: {  	[tilespmem:s29+$0x0] =	vst.add.f32.msk $0xffff, v2  }
0x15c: {  	v1 =	vld [tilespmem:s12+$0x300];
	_ =	sdelay $0x3  }
0x15d: {  	s30 =	spop (v2sf)  }
0x15e: {  	[tilespmem:s30+$0x0] =	vst.add.f32.msk $0xffff, v1  }
0x15f: {  	v1 =	vld [tilespmem:s12+$0x380];
	_ =	sdelay $0x2  }
0x160: {  	s11 =	sadd.s32 $0x1, s11  }
0x161: {  	p0 =	sne.s32 s11, s6;
	s31 =	spop (v2sf)  }
.Ltmp1:
0x162: {  	[tilespmem:s31+$0x0] =	vst.add.f32.msk $0xffff, v1;
	(pc) =	sbr.rel @p0 .LBB2_1-.Ltmp1, $4  }
0x163: {  	[hbm4b:s5+s2] =	stream.linear.scatter [tilespmem:s10], [sflag:$0x1], $0x4000, $0x38;
	[tilespmem:$0x14200] =	vst v63  }
0x164: {  	_ =	swait.ge [sflag:s7], $0x4000  }
0x165: {  	[sflag:s7] =	ssyncset.done $0x0  }
0x166: {  	[sflag:s7] =	ssyncadd.s32 $0xFFFFC000  }
0x167: {  	_ =	sfence.sel $0x180000  }
0x168: {  	[bflag:$0x0] =	sbarrier.arrive $0xFFFF  }
0x169: {  	p0 =	sne.s32 s0, $0x0;
	_ =	strace $0x90000047  }
0x16a: {  	s0 =	sadd.s32 @!p0 $0x100000, s1;
	[bflag:$0x2] =	sbarrier.arrive $0xFFFF  }
0x16b: {  	[sflag:s0] =	ssyncadd.tile.s32 @!p0 $0x1;
	_ =	shalt  }
.Lfunc_end2:
_tile_overlayer_lowered:
.L_overlay_start_2:
0x16c: {  	(tag) =	ssettag $0x2  }
0x16d: {  	s0 =	rddreg [dreg:$0x0];
	s2 =	stileid.u32  }
0x16e: {  	s1 =	rddreg [dreg:$0x1];
	p0 =	sne.s32 s2, $0x0  }
0x16f: {  	s3 =	rddreg [dreg:$0x2];
	[bflag:$0x3] =	sbarrier.arrive $0xFFFF;
	s2 =	simm.s32 @!p0 $0x1C01  }
0x170: {  	[timem:s3], [sflag:s2] =	dma.local @!p0 [hbm:s0], s1  }
0x171: {  	s0 =	simm.s32 @!p0 $0x1  }
0x172: {  	_ =	swait.ge @!p0 [sflag:s0], s1  }
0x173: {  	s1 =	ssub.s32 @!p0 $0x0, s1;
	[sflag:s0] =	ssyncset.done @!p0 $0x0  }
0x174: {  	[sflag:s0] =	ssyncadd.s32 @!p0 s1  }
0x175: {  	[bflag:$0x3] =	sbarrier.arrive $0xFFFF  }
0x176: {  	_ =	shalt  }

</sc_bundles>
